<compile_context>
chip_gen: v7x
topology: tpu7x:2x2x1
jax: 0.10.2.dev20260603
libtpu: 0.0.44.dev20260713+nightly
codegen_flags: <defaults>
</compile_context>

<pallas_src>
import functools

import jax
import jax.numpy as jnp
from jax import lax
from jax.experimental import pallas as pl
from jax.experimental.pallas import tpu as pltpu
from jax.experimental.pallas import tpu_sc as plsc

VOCAB = 1000
BATCH = 4096
SEQ = 20
NC, NS = 2, 16
NW = NC * NS
NVT = VOCAB // 8
VT_PER_W = 4
NBT = BATCH // 128
NGRP = BATCH // 16


def _sc_bigram(table_t, idx_t):
    mesh = plsc.VectorSubcoreMesh(core_axis_name="c", subcore_axis_name="s")

    @functools.partial(
        pl.kernel,
        mesh=mesh,
        compiler_params=pltpu.CompilerParams(use_tc_tiling_on_sc=False,
                                             needs_layout_passes=False),
        out_type=jax.ShapeDtypeStruct((SEQ, NVT, NBT, 8, 128), jnp.float32),
        scratch_types=[
            pltpu.VMEM((VT_PER_W, 8, VOCAB), jnp.float32),
            pltpu.VMEM((2, BATCH), jnp.int32),
            pltpu.VMEM((NBT, 8, 128), jnp.float32),
            pltpu.VMEM((NBT, 8, 128), jnp.float32),
            pltpu.SemaphoreType.DMA,
            pltpu.SemaphoreType.DMA,
            pltpu.SemaphoreType.DMA,
        ],
    )
    def k(tab_hbm, idx_hbm, out_hbm, slab_v, idx_v, ob0, ob1, o0, o1, isem):
        obufs = (ob0, ob1)
        osems = (o0, o1)
        sid = lax.axis_index("s")
        wid = sid * NC + lax.axis_index("c")
        vr0 = wid * VT_PER_W
        nvr = jnp.minimum(NVT - vr0, VT_PER_W)

        for j in range(VT_PER_W):
            @pl.when(j < nvr)
            def _():
                pltpu.sync_copy(tab_hbm.at[pl.ds((vr0 + j) * 8, 8)],
                                slab_v.at[j])

        v8s = [jnp.full((16,), v8, jnp.int32) for v8 in range(8)]

        def fill(jv, sm2, half):
            @plsc.parallel_loop(0, NGRP, unroll=4)
            def _(g):
                vidx = idx_v[sm2, pl.ds(g * 16, 16)]
                c = g // 8
                lb = (g % 8) * 16
                for v8 in range(8):
                    val = plsc.load_gather(slab_v, [jv, v8s[v8], vidx])
                    obufs[half][c, v8, pl.ds(lb, 16)] = val

        def ocopy_desc(s, vr, half):
            return pltpu.make_async_copy(obufs[half], out_hbm.at[s, vr],
                                         osems[half])

        pltpu.sync_copy(idx_hbm.at[0], idx_v.at[0])

        def idx_desc(s, sm2):
            return pltpu.make_async_copy(idx_hbm.at[s], idx_v.at[sm2], isem)

        def pair_body(tp, _):
            for half in range(2):
                t = 2 * tp + half
                s = t // nvr
                j = t % nvr
                sm2 = s % 2

                @pl.when(jnp.logical_and(j == 0, s > 0))
                def _():
                    idx_desc(s, sm2).wait()

                @pl.when(jnp.logical_and(j == nvr - 1, s < SEQ - 1))
                def _():
                    idx_desc(s + 1, (s + 1) % 2).start()

                @pl.when(tp > 0)
                def _():
                    ocopy_desc(0, 0, half).wait()

                jv = jnp.full((16,), j, jnp.int32)
                fill(jv, sm2, half)
                ocopy_desc(s, vr0 + j, half).start()
            return _

        lax.fori_loop(0, SEQ * nvr // 2, pair_body, None)
        for half in range(2):
            ocopy_desc(0, 0, half).wait()

    return k(table_t, idx_t)


@jax.jit
def kernel(idx, logits_table):
    table_t = logits_table.T
    idx_t = idx.astype(jnp.int32).T
    out5 = _sc_bigram(table_t, idx_t)
    return out5.transpose(2, 4, 0, 1, 3).reshape(BATCH, SEQ, VOCAB)

# --- scband reference (transcript-rebuilt; emitter-appended) ---
"""Pipeline reference for scband-bigram-10969346474084 (READ-ONLY COPY).

The authoritative reference and input builder live on the scoring server;
editing this copy changes nothing except your own understanding.
"""

import jax, jax.numpy as jnp
import numpy as np

VOCAB = 1000
BATCH = 4096
SEQ = 20

def setup_inputs(seed: int = 0) -> dict:
    key = jax.random.key(seed)
    k_idx, k_w = jax.random.split(key)
    idx = jax.random.randint(k_idx, (BATCH, SEQ), 0, VOCAB, dtype=jnp.int64 if jax.config.read('jax_enable_x64') else jnp.int32)
    # Learned parameter: the bigram logits lookup table [vocab, vocab].
    # (torch init is zeros; use small random values for a meaningful reference signal)
    logits_table = jax.random.normal(k_w, (VOCAB, VOCAB), dtype=jnp.float32) * 0.02
    return {"idx": idx, "logits_table": logits_table}

def reference(idx, logits_table):
    # Bigram forward: pure embedding-style gather of next-token logits.
    # logits = self.logits[idx]  -> shape [B, S, vocab]
    logits = jnp.take(logits_table, idx, axis=0)
    # targets=None path: loss is None, return logits only.
    return logits

if __name__ == "__main__":
    import jax
    _d = setup_inputs()
    print(jax.jit(kernel)(*tuple(_d.values())))

</pallas_src>

<mosaic_0001>
#map = affine_map<(d0, d1) -> (0, 0)>
#map1 = affine_map<(d0, d1) -> (0, 0, 0, 0, 0)>
module attributes {stable_mosaic.version = 14 : i64} {
  func.func @k(%arg0: i32, %arg1: i32, %arg2: memref<1000x1000xf32, #tpu.memory_space<hbm>>, %arg3: memref<20x4096xi32, #tpu.memory_space<hbm>>, %arg4: memref<20x125x32x8x128xf32, #tpu.memory_space<hbm>>, %arg5: memref<4x8x1000xf32, #tpu.memory_space<vmem>>, %arg6: memref<2x4096xi32, #tpu.memory_space<vmem>>, %arg7: memref<32x8x128xf32, #tpu.memory_space<vmem>>, %arg8: memref<32x8x128xf32, #tpu.memory_space<vmem>>, %arg9: memref<!tpu.dma_semaphore, #tpu.memory_space<semaphore_mem>>, %arg10: memref<!tpu.dma_semaphore, #tpu.memory_space<semaphore_mem>>, %arg11: memref<!tpu.dma_semaphore, #tpu.memory_space<semaphore_mem>>) attributes {dimension_semantics = [#tpu.dimension_semantics<core_parallel>, #tpu.dimension_semantics<subcore_parallel>], iteration_bounds = array<i64: 2, 16>, scalar_prefetch = 0 : i64, scratch_operands = 7 : i64, tpu.core_type = #tpu.core_type<sc_vector_subcore>, window_params = [{transform_indices = #map}, {transform_indices = #map}, {transform_indices = #map1}]} {
    %mul3A = arith.constant 2 : i32
    %mul3A_0 = arith.muli %arg1, %mul3A : i32
    %add3A = arith.addi %mul3A_0, %arg0 : i32
    %mul3A_1 = arith.constant 4 : i32
    %mul3A_2 = arith.muli %add3A, %mul3A_1 : i32
    %sub3A = arith.constant 125 : i32
    %sub3A_3 = arith.subi %sub3A, %mul3A_2 : i32
    %min3A = arith.constant 4 : i32
    %min3A_4 = arith.minsi %sub3A_3, %min3A : i32
    %gt3A = arith.constant 0 : i32
    %gt3A_5 = arith.cmpi sgt, %min3A_4, %gt3A : i32
    %convert_element_type3A = arith.extui %gt3A_5 : i1 to i32
    %cond3A = arith.constant 0 : i32
    %cond3A_6 = arith.cmpi ne, %convert_element_type3A, %cond3A : i32
    scf.if %cond3A_6 {
      %add3A_88 = arith.constant 0 : i32
      %add3A_89 = arith.addi %mul3A_2, %add3A_88 : i32
      %mul3A_90 = arith.constant 8 : i32
      %mul3A_91 = arith.muli %add3A_89, %mul3A_90 : i32
      %run_scoped3A_92 = arith.constant 0 : i32
      "tpu.region"() ({
        %run_scoped3A_93 = tpu.sem_alloc : memref<!tpu.dma_semaphore, #tpu.memory_space<semaphore_mem>>
        %dma_start3A = arith.constant 0 : i32
        %dma_start3A_94 = arith.constant 0 : i32
        %dma_start3A_95 = tpu.memref_slice %arg5[%run_scoped3A_92, %dma_start3A, %dma_start3A_94] : memref<4x8x1000xf32, #tpu.memory_space<vmem>> -> memref<1x8x1000xf32, #tpu.memory_space<vmem>>
        %dma_start3A_96 = tpu.memref_squeeze %dma_start3A_95 : memref<1x8x1000xf32, #tpu.memory_space<vmem>> -> memref<8x1000xf32, #tpu.memory_space<vmem>>
        %dma_start3A_97 = arith.constant 0 : i32
        %dma_start3A_98 = tpu.memref_slice %arg2[%mul3A_91, %dma_start3A_97] : memref<1000x1000xf32, #tpu.memory_space<hbm>> -> memref<8x1000xf32, #tpu.memory_space<hbm>>
        %dma_start3A_99 = arith.constant 0 : i32
        %dma_start3A_100 = arith.constant 0 : i32
        %dma_start3A_101 = tpu.memref_slice %arg5[%run_scoped3A_92, %dma_start3A_99, %dma_start3A_100] : memref<4x8x1000xf32, #tpu.memory_space<vmem>> -> memref<1x8x1000xf32, #tpu.memory_space<vmem>>
        %dma_start3A_102 = tpu.memref_squeeze %dma_start3A_101 : memref<1x8x1000xf32, #tpu.memory_space<vmem>> -> memref<8x1000xf32, #tpu.memory_space<vmem>>
        %dma_start3A_103 = arith.constant 0 : i32
        %dma_start3A_104 = tpu.memref_slice %arg2[%mul3A_91, %dma_start3A_103] : memref<1000x1000xf32, #tpu.memory_space<hbm>> -> memref<8x1000xf32, #tpu.memory_space<hbm>>
        tpu.enqueue_dma source(%dma_start3A_104 : memref<8x1000xf32, #tpu.memory_space<hbm>>) target(%dma_start3A_102 : memref<8x1000xf32, #tpu.memory_space<vmem>>) target_semaphore(%run_scoped3A_93 : memref<!tpu.dma_semaphore, #tpu.memory_space<semaphore_mem>>)
        %dma_wait3A_105 = arith.constant 0 : i32
        %dma_wait3A_106 = arith.constant 0 : i32
        %dma_wait3A_107 = tpu.memref_slice %arg5[%run_scoped3A_92, %dma_wait3A_105, %dma_wait3A_106] : memref<4x8x1000xf32, #tpu.memory_space<vmem>> -> memref<1x8x1000xf32, #tpu.memory_space<vmem>>
        %dma_wait3A_108 = tpu.memref_squeeze %dma_wait3A_107 : memref<1x8x1000xf32, #tpu.memory_space<vmem>> -> memref<8x1000xf32, #tpu.memory_space<vmem>>
        %dma_wait3A_109 = arith.constant 0 : i32
        %dma_wait3A_110 = tpu.memref_slice %arg2[%mul3A_91, %dma_wait3A_109] : memref<1000x1000xf32, #tpu.memory_space<hbm>> -> memref<8x1000xf32, #tpu.memory_space<hbm>>
        %dma_wait3A_111 = arith.constant 0 : i32
        %dma_wait3A_112 = arith.constant 0 : i32
        %dma_wait3A_113 = tpu.memref_slice %arg5[%run_scoped3A_92, %dma_wait3A_111, %dma_wait3A_112] : memref<4x8x1000xf32, #tpu.memory_space<vmem>> -> memref<1x8x1000xf32, #tpu.memory_space<vmem>>
        %dma_wait3A_114 = tpu.memref_squeeze %dma_wait3A_113 : memref<1x8x1000xf32, #tpu.memory_space<vmem>> -> memref<8x1000xf32, #tpu.memory_space<vmem>>
        %dma_wait3A_115 = arith.constant 0 : i32
        %dma_wait3A_116 = tpu.memref_slice %arg2[%mul3A_91, %dma_wait3A_115] : memref<1000x1000xf32, #tpu.memory_space<hbm>> -> memref<8x1000xf32, #tpu.memory_space<hbm>>
        tpu.wait_dma2 semaphore(%run_scoped3A_93 : memref<!tpu.dma_semaphore, #tpu.memory_space<semaphore_mem>>) src(%dma_wait3A_116 : memref<8x1000xf32, #tpu.memory_space<hbm>>) dst(%dma_wait3A_114 : memref<8x1000xf32, #tpu.memory_space<vmem>>)
        tpu.yield
      }) : () -> ()
    } else {
    }
    %gt3A_7 = arith.constant 1 : i32
    %gt3A_8 = arith.cmpi sgt, %min3A_4, %gt3A_7 : i32
    %convert_element_type3A_9 = arith.extui %gt3A_8 : i1 to i32
    %cond3A_10 = arith.constant 0 : i32
    %cond3A_11 = arith.cmpi ne, %convert_element_type3A_9, %cond3A_10 : i32
    scf.if %cond3A_11 {
      %add3A_88 = arith.constant 1 : i32
      %add3A_89 = arith.addi %mul3A_2, %add3A_88 : i32
      %mul3A_90 = arith.constant 8 : i32
      %mul3A_91 = arith.muli %add3A_89, %mul3A_90 : i32
      %run_scoped3A_92 = arith.constant 1 : i32
      "tpu.region"() ({
        %run_scoped3A_93 = tpu.sem_alloc : memref<!tpu.dma_semaphore, #tpu.memory_space<semaphore_mem>>
        %dma_start3A = arith.constant 0 : i32
        %dma_start3A_94 = arith.constant 0 : i32
        %dma_start3A_95 = tpu.memref_slice %arg5[%run_scoped3A_92, %dma_start3A, %dma_start3A_94] : memref<4x8x1000xf32, #tpu.memory_space<vmem>> -> memref<1x8x1000xf32, #tpu.memory_space<vmem>>
        %dma_start3A_96 = tpu.memref_squeeze %dma_start3A_95 : memref<1x8x1000xf32, #tpu.memory_space<vmem>> -> memref<8x1000xf32, #tpu.memory_space<vmem>>
        %dma_start3A_97 = arith.constant 0 : i32
        %dma_start3A_98 = tpu.memref_slice %arg2[%mul3A_91, %dma_start3A_97] : memref<1000x1000xf32, #tpu.memory_space<hbm>> -> memref<8x1000xf32, #tpu.memory_space<hbm>>
        %dma_start3A_99 = arith.constant 0 : i32
        %dma_start3A_100 = arith.constant 0 : i32
        %dma_start3A_101 = tpu.memref_slice %arg5[%run_scoped3A_92, %dma_start3A_99, %dma_start3A_100] : memref<4x8x1000xf32, #tpu.memory_space<vmem>> -> memref<1x8x1000xf32, #tpu.memory_space<vmem>>
        %dma_start3A_102 = tpu.memref_squeeze %dma_start3A_101 : memref<1x8x1000xf32, #tpu.memory_space<vmem>> -> memref<8x1000xf32, #tpu.memory_space<vmem>>
        %dma_start3A_103 = arith.constant 0 : i32
        %dma_start3A_104 = tpu.memref_slice %arg2[%mul3A_91, %dma_start3A_103] : memref<1000x1000xf32, #tpu.memory_space<hbm>> -> memref<8x1000xf32, #tpu.memory_space<hbm>>
        tpu.enqueue_dma source(%dma_start3A_104 : memref<8x1000xf32, #tpu.memory_space<hbm>>) target(%dma_start3A_102 : memref<8x1000xf32, #tpu.memory_space<vmem>>) target_semaphore(%run_scoped3A_93 : memref<!tpu.dma_semaphore, #tpu.memory_space<semaphore_mem>>)
        %dma_wait3A_105 = arith.constant 0 : i32
        %dma_wait3A_106 = arith.constant 0 : i32
        %dma_wait3A_107 = tpu.memref_slice %arg5[%run_scoped3A_92, %dma_wait3A_105, %dma_wait3A_106] : memref<4x8x1000xf32, #tpu.memory_space<vmem>> -> memref<1x8x1000xf32, #tpu.memory_space<vmem>>
        %dma_wait3A_108 = tpu.memref_squeeze %dma_wait3A_107 : memref<1x8x1000xf32, #tpu.memory_space<vmem>> -> memref<8x1000xf32, #tpu.memory_space<vmem>>
        %dma_wait3A_109 = arith.constant 0 : i32
        %dma_wait3A_110 = tpu.memref_slice %arg2[%mul3A_91, %dma_wait3A_109] : memref<1000x1000xf32, #tpu.memory_space<hbm>> -> memref<8x1000xf32, #tpu.memory_space<hbm>>
        %dma_wait3A_111 = arith.constant 0 : i32
        %dma_wait3A_112 = arith.constant 0 : i32
        %dma_wait3A_113 = tpu.memref_slice %arg5[%run_scoped3A_92, %dma_wait3A_111, %dma_wait3A_112] : memref<4x8x1000xf32, #tpu.memory_space<vmem>> -> memref<1x8x1000xf32, #tpu.memory_space<vmem>>
        %dma_wait3A_114 = tpu.memref_squeeze %dma_wait3A_113 : memref<1x8x1000xf32, #tpu.memory_space<vmem>> -> memref<8x1000xf32, #tpu.memory_space<vmem>>
        %dma_wait3A_115 = arith.constant 0 : i32
        %dma_wait3A_116 = tpu.memref_slice %arg2[%mul3A_91, %dma_wait3A_115] : memref<1000x1000xf32, #tpu.memory_space<hbm>> -> memref<8x1000xf32, #tpu.memory_space<hbm>>
        tpu.wait_dma2 semaphore(%run_scoped3A_93 : memref<!tpu.dma_semaphore, #tpu.memory_space<semaphore_mem>>) src(%dma_wait3A_116 : memref<8x1000xf32, #tpu.memory_space<hbm>>) dst(%dma_wait3A_114 : memref<8x1000xf32, #tpu.memory_space<vmem>>)
        tpu.yield
      }) : () -> ()
    } else {
    }
    %gt3A_12 = arith.constant 2 : i32
    %gt3A_13 = arith.cmpi sgt, %min3A_4, %gt3A_12 : i32
    %convert_element_type3A_14 = arith.extui %gt3A_13 : i1 to i32
    %cond3A_15 = arith.constant 0 : i32
    %cond3A_16 = arith.cmpi ne, %convert_element_type3A_14, %cond3A_15 : i32
    scf.if %cond3A_16 {
      %add3A_88 = arith.constant 2 : i32
      %add3A_89 = arith.addi %mul3A_2, %add3A_88 : i32
      %mul3A_90 = arith.constant 8 : i32
      %mul3A_91 = arith.muli %add3A_89, %mul3A_90 : i32
      %run_scoped3A_92 = arith.constant 2 : i32
      "tpu.region"() ({
        %run_scoped3A_93 = tpu.sem_alloc : memref<!tpu.dma_semaphore, #tpu.memory_space<semaphore_mem>>
        %dma_start3A = arith.constant 0 : i32
        %dma_start3A_94 = arith.constant 0 : i32
        %dma_start3A_95 = tpu.memref_slice %arg5[%run_scoped3A_92, %dma_start3A, %dma_start3A_94] : memref<4x8x1000xf32, #tpu.memory_space<vmem>> -> memref<1x8x1000xf32, #tpu.memory_space<vmem>>
        %dma_start3A_96 = tpu.memref_squeeze %dma_start3A_95 : memref<1x8x1000xf32, #tpu.memory_space<vmem>> -> memref<8x1000xf32, #tpu.memory_space<vmem>>
        %dma_start3A_97 = arith.constant 0 : i32
        %dma_start3A_98 = tpu.memref_slice %arg2[%mul3A_91, %dma_start3A_97] : memref<1000x1000xf32, #tpu.memory_space<hbm>> -> memref<8x1000xf32, #tpu.memory_space<hbm>>
        %dma_start3A_99 = arith.constant 0 : i32
        %dma_start3A_100 = arith.constant 0 : i32
        %dma_start3A_101 = tpu.memref_slice %arg5[%run_scoped3A_92, %dma_start3A_99, %dma_start3A_100] : memref<4x8x1000xf32, #tpu.memory_space<vmem>> -> memref<1x8x1000xf32, #tpu.memory_space<vmem>>
        %dma_start3A_102 = tpu.memref_squeeze %dma_start3A_101 : memref<1x8x1000xf32, #tpu.memory_space<vmem>> -> memref<8x1000xf32, #tpu.memory_space<vmem>>
        %dma_start3A_103 = arith.constant 0 : i32
        %dma_start3A_104 = tpu.memref_slice %arg2[%mul3A_91, %dma_start3A_103] : memref<1000x1000xf32, #tpu.memory_space<hbm>> -> memref<8x1000xf32, #tpu.memory_space<hbm>>
        tpu.enqueue_dma source(%dma_start3A_104 : memref<8x1000xf32, #tpu.memory_space<hbm>>) target(%dma_start3A_102 : memref<8x1000xf32, #tpu.memory_space<vmem>>) target_semaphore(%run_scoped3A_93 : memref<!tpu.dma_semaphore, #tpu.memory_space<semaphore_mem>>)
        %dma_wait3A_105 = arith.constant 0 : i32
        %dma_wait3A_106 = arith.constant 0 : i32
        %dma_wait3A_107 = tpu.memref_slice %arg5[%run_scoped3A_92, %dma_wait3A_105, %dma_wait3A_106] : memref<4x8x1000xf32, #tpu.memory_space<vmem>> -> memref<1x8x1000xf32, #tpu.memory_space<vmem>>
        %dma_wait3A_108 = tpu.memref_squeeze %dma_wait3A_107 : memref<1x8x1000xf32, #tpu.memory_space<vmem>> -> memref<8x1000xf32, #tpu.memory_space<vmem>>
        %dma_wait3A_109 = arith.constant 0 : i32
        %dma_wait3A_110 = tpu.memref_slice %arg2[%mul3A_91, %dma_wait3A_109] : memref<1000x1000xf32, #tpu.memory_space<hbm>> -> memref<8x1000xf32, #tpu.memory_space<hbm>>
        %dma_wait3A_111 = arith.constant 0 : i32
        %dma_wait3A_112 = arith.constant 0 : i32
        %dma_wait3A_113 = tpu.memref_slice %arg5[%run_scoped3A_92, %dma_wait3A_111, %dma_wait3A_112] : memref<4x8x1000xf32, #tpu.memory_space<vmem>> -> memref<1x8x1000xf32, #tpu.memory_space<vmem>>
        %dma_wait3A_114 = tpu.memref_squeeze %dma_wait3A_113 : memref<1x8x1000xf32, #tpu.memory_space<vmem>> -> memref<8x1000xf32, #tpu.memory_space<vmem>>
        %dma_wait3A_115 = arith.constant 0 : i32
        %dma_wait3A_116 = tpu.memref_slice %arg2[%mul3A_91, %dma_wait3A_115] : memref<1000x1000xf32, #tpu.memory_space<hbm>> -> memref<8x1000xf32, #tpu.memory_space<hbm>>
        tpu.wait_dma2 semaphore(%run_scoped3A_93 : memref<!tpu.dma_semaphore, #tpu.memory_space<semaphore_mem>>) src(%dma_wait3A_116 : memref<8x1000xf32, #tpu.memory_space<hbm>>) dst(%dma_wait3A_114 : memref<8x1000xf32, #tpu.memory_space<vmem>>)
        tpu.yield
      }) : () -> ()
    } else {
    }
    %gt3A_17 = arith.constant 3 : i32
    %gt3A_18 = arith.cmpi sgt, %min3A_4, %gt3A_17 : i32
    %convert_element_type3A_19 = arith.extui %gt3A_18 : i1 to i32
    %cond3A_20 = arith.constant 0 : i32
    %cond3A_21 = arith.cmpi ne, %convert_element_type3A_19, %cond3A_20 : i32
    scf.if %cond3A_21 {
      %add3A_88 = arith.constant 3 : i32
      %add3A_89 = arith.addi %mul3A_2, %add3A_88 : i32
      %mul3A_90 = arith.constant 8 : i32
      %mul3A_91 = arith.muli %add3A_89, %mul3A_90 : i32
      %run_scoped3A_92 = arith.constant 3 : i32
      "tpu.region"() ({
        %run_scoped3A_93 = tpu.sem_alloc : memref<!tpu.dma_semaphore, #tpu.memory_space<semaphore_mem>>
        %dma_start3A = arith.constant 0 : i32
        %dma_start3A_94 = arith.constant 0 : i32
        %dma_start3A_95 = tpu.memref_slice %arg5[%run_scoped3A_92, %dma_start3A, %dma_start3A_94] : memref<4x8x1000xf32, #tpu.memory_space<vmem>> -> memref<1x8x1000xf32, #tpu.memory_space<vmem>>
        %dma_start3A_96 = tpu.memref_squeeze %dma_start3A_95 : memref<1x8x1000xf32, #tpu.memory_space<vmem>> -> memref<8x1000xf32, #tpu.memory_space<vmem>>
        %dma_start3A_97 = arith.constant 0 : i32
        %dma_start3A_98 = tpu.memref_slice %arg2[%mul3A_91, %dma_start3A_97] : memref<1000x1000xf32, #tpu.memory_space<hbm>> -> memref<8x1000xf32, #tpu.memory_space<hbm>>
        %dma_start3A_99 = arith.constant 0 : i32
        %dma_start3A_100 = arith.constant 0 : i32
        %dma_start3A_101 = tpu.memref_slice %arg5[%run_scoped3A_92, %dma_start3A_99, %dma_start3A_100] : memref<4x8x1000xf32, #tpu.memory_space<vmem>> -> memref<1x8x1000xf32, #tpu.memory_space<vmem>>
        %dma_start3A_102 = tpu.memref_squeeze %dma_start3A_101 : memref<1x8x1000xf32, #tpu.memory_space<vmem>> -> memref<8x1000xf32, #tpu.memory_space<vmem>>
        %dma_start3A_103 = arith.constant 0 : i32
        %dma_start3A_104 = tpu.memref_slice %arg2[%mul3A_91, %dma_start3A_103] : memref<1000x1000xf32, #tpu.memory_space<hbm>> -> memref<8x1000xf32, #tpu.memory_space<hbm>>
        tpu.enqueue_dma source(%dma_start3A_104 : memref<8x1000xf32, #tpu.memory_space<hbm>>) target(%dma_start3A_102 : memref<8x1000xf32, #tpu.memory_space<vmem>>) target_semaphore(%run_scoped3A_93 : memref<!tpu.dma_semaphore, #tpu.memory_space<semaphore_mem>>)
        %dma_wait3A_105 = arith.constant 0 : i32
        %dma_wait3A_106 = arith.constant 0 : i32
        %dma_wait3A_107 = tpu.memref_slice %arg5[%run_scoped3A_92, %dma_wait3A_105, %dma_wait3A_106] : memref<4x8x1000xf32, #tpu.memory_space<vmem>> -> memref<1x8x1000xf32, #tpu.memory_space<vmem>>
        %dma_wait3A_108 = tpu.memref_squeeze %dma_wait3A_107 : memref<1x8x1000xf32, #tpu.memory_space<vmem>> -> memref<8x1000xf32, #tpu.memory_space<vmem>>
        %dma_wait3A_109 = arith.constant 0 : i32
        %dma_wait3A_110 = tpu.memref_slice %arg2[%mul3A_91, %dma_wait3A_109] : memref<1000x1000xf32, #tpu.memory_space<hbm>> -> memref<8x1000xf32, #tpu.memory_space<hbm>>
        %dma_wait3A_111 = arith.constant 0 : i32
        %dma_wait3A_112 = arith.constant 0 : i32
        %dma_wait3A_113 = tpu.memref_slice %arg5[%run_scoped3A_92, %dma_wait3A_111, %dma_wait3A_112] : memref<4x8x1000xf32, #tpu.memory_space<vmem>> -> memref<1x8x1000xf32, #tpu.memory_space<vmem>>
        %dma_wait3A_114 = tpu.memref_squeeze %dma_wait3A_113 : memref<1x8x1000xf32, #tpu.memory_space<vmem>> -> memref<8x1000xf32, #tpu.memory_space<vmem>>
        %dma_wait3A_115 = arith.constant 0 : i32
        %dma_wait3A_116 = tpu.memref_slice %arg2[%mul3A_91, %dma_wait3A_115] : memref<1000x1000xf32, #tpu.memory_space<hbm>> -> memref<8x1000xf32, #tpu.memory_space<hbm>>
        tpu.wait_dma2 semaphore(%run_scoped3A_93 : memref<!tpu.dma_semaphore, #tpu.memory_space<semaphore_mem>>) src(%dma_wait3A_116 : memref<8x1000xf32, #tpu.memory_space<hbm>>) dst(%dma_wait3A_114 : memref<8x1000xf32, #tpu.memory_space<vmem>>)
        tpu.yield
      }) : () -> ()
    } else {
    }
    %broadcast_in_dim3A = arith.constant 0 : i32
    %broadcast_in_dim3A_22 = vector.broadcast %broadcast_in_dim3A : i32 to vector<16xi32>
    %broadcast_in_dim3A_23 = arith.constant 1 : i32
    %broadcast_in_dim3A_24 = vector.broadcast %broadcast_in_dim3A_23 : i32 to vector<16xi32>
    %broadcast_in_dim3A_25 = arith.constant 2 : i32
    %broadcast_in_dim3A_26 = vector.broadcast %broadcast_in_dim3A_25 : i32 to vector<16xi32>
    %broadcast_in_dim3A_27 = arith.constant 3 : i32
    %broadcast_in_dim3A_28 = vector.broadcast %broadcast_in_dim3A_27 : i32 to vector<16xi32>
    %broadcast_in_dim3A_29 = arith.constant 4 : i32
    %broadcast_in_dim3A_30 = vector.broadcast %broadcast_in_dim3A_29 : i32 to vector<16xi32>
    %broadcast_in_dim3A_31 = arith.constant 5 : i32
    %broadcast_in_dim3A_32 = vector.broadcast %broadcast_in_dim3A_31 : i32 to vector<16xi32>
    %broadcast_in_dim3A_33 = arith.constant 6 : i32
    %broadcast_in_dim3A_34 = vector.broadcast %broadcast_in_dim3A_33 : i32 to vector<16xi32>
    %broadcast_in_dim3A_35 = arith.constant 7 : i32
    %broadcast_in_dim3A_36 = vector.broadcast %broadcast_in_dim3A_35 : i32 to vector<16xi32>
    %run_scoped3A = arith.constant 0 : i32
    %run_scoped3A_37 = arith.constant 0 : i32
    "tpu.region"() ({
      %run_scoped3A_88 = tpu.sem_alloc : memref<!tpu.dma_semaphore, #tpu.memory_space<semaphore_mem>>
      %dma_start3A = arith.constant 0 : i32
      %dma_start3A_89 = tpu.memref_slice %arg6[%run_scoped3A_37, %dma_start3A] : memref<2x4096xi32, #tpu.memory_space<vmem>> -> memref<1x4096xi32, #tpu.memory_space<vmem>>
      %dma_start3A_90 = tpu.memref_squeeze %dma_start3A_89 : memref<1x4096xi32, #tpu.memory_space<vmem>> -> memref<4096xi32, #tpu.memory_space<vmem>>
      %dma_start3A_91 = arith.constant 0 : i32
      %dma_start3A_92 = tpu.memref_slice %arg3[%run_scoped3A, %dma_start3A_91] : memref<20x4096xi32, #tpu.memory_space<hbm>> -> memref<1x4096xi32, #tpu.memory_space<hbm>>
      %dma_start3A_93 = tpu.memref_squeeze %dma_start3A_92 : memref<1x4096xi32, #tpu.memory_space<hbm>> -> memref<4096xi32, #tpu.memory_space<hbm>>
      %dma_start3A_94 = arith.constant 0 : i32
      %dma_start3A_95 = tpu.memref_slice %arg6[%run_scoped3A_37, %dma_start3A_94] : memref<2x4096xi32, #tpu.memory_space<vmem>> -> memref<1x4096xi32, #tpu.memory_space<vmem>>
      %dma_start3A_96 = tpu.memref_squeeze %dma_start3A_95 : memref<1x4096xi32, #tpu.memory_space<vmem>> -> memref<4096xi32, #tpu.memory_space<vmem>>
      %dma_start3A_97 = arith.constant 0 : i32
      %dma_start3A_98 = tpu.memref_slice %arg3[%run_scoped3A, %dma_start3A_97] : memref<20x4096xi32, #tpu.memory_space<hbm>> -> memref<1x4096xi32, #tpu.memory_space<hbm>>
      %dma_start3A_99 = tpu.memref_squeeze %dma_start3A_98 : memref<1x4096xi32, #tpu.memory_space<hbm>> -> memref<4096xi32, #tpu.memory_space<hbm>>
      tpu.enqueue_dma source(%dma_start3A_99 : memref<4096xi32, #tpu.memory_space<hbm>>) target(%dma_start3A_96 : memref<4096xi32, #tpu.memory_space<vmem>>) target_semaphore(%run_scoped3A_88 : memref<!tpu.dma_semaphore, #tpu.memory_space<semaphore_mem>>)
      %dma_wait3A_100 = arith.constant 0 : i32
      %dma_wait3A_101 = tpu.memref_slice %arg6[%run_scoped3A_37, %dma_wait3A_100] : memref<2x4096xi32, #tpu.memory_space<vmem>> -> memref<1x4096xi32, #tpu.memory_space<vmem>>
      %dma_wait3A_102 = tpu.memref_squeeze %dma_wait3A_101 : memref<1x4096xi32, #tpu.memory_space<vmem>> -> memref<4096xi32, #tpu.memory_space<vmem>>
      %dma_wait3A_103 = arith.constant 0 : i32
      %dma_wait3A_104 = tpu.memref_slice %arg3[%run_scoped3A, %dma_wait3A_103] : memref<20x4096xi32, #tpu.memory_space<hbm>> -> memref<1x4096xi32, #tpu.memory_space<hbm>>
      %dma_wait3A_105 = tpu.memref_squeeze %dma_wait3A_104 : memref<1x4096xi32, #tpu.memory_space<hbm>> -> memref<4096xi32, #tpu.memory_space<hbm>>
      %dma_wait3A_106 = arith.constant 0 : i32
      %dma_wait3A_107 = tpu.memref_slice %arg6[%run_scoped3A_37, %dma_wait3A_106] : memref<2x4096xi32, #tpu.memory_space<vmem>> -> memref<1x4096xi32, #tpu.memory_space<vmem>>
      %dma_wait3A_108 = tpu.memref_squeeze %dma_wait3A_107 : memref<1x4096xi32, #tpu.memory_space<vmem>> -> memref<4096xi32, #tpu.memory_space<vmem>>
      %dma_wait3A_109 = arith.constant 0 : i32
      %dma_wait3A_110 = tpu.memref_slice %arg3[%run_scoped3A, %dma_wait3A_109] : memref<20x4096xi32, #tpu.memory_space<hbm>> -> memref<1x4096xi32, #tpu.memory_space<hbm>>
      %dma_wait3A_111 = tpu.memref_squeeze %dma_wait3A_110 : memref<1x4096xi32, #tpu.memory_space<hbm>> -> memref<4096xi32, #tpu.memory_space<hbm>>
      tpu.wait_dma2 semaphore(%run_scoped3A_88 : memref<!tpu.dma_semaphore, #tpu.memory_space<semaphore_mem>>) src(%dma_wait3A_111 : memref<4096xi32, #tpu.memory_space<hbm>>) dst(%dma_wait3A_108 : memref<4096xi32, #tpu.memory_space<vmem>>)
      tpu.yield
    }) : () -> ()
    %mul3A_38 = arith.constant 20 : i32
    %mul3A_39 = arith.muli %mul3A_38, %min3A_4 : i32
    %jit3A = arith.constant 2 : i32
    %div3A = arith.divsi %mul3A_39, %jit3A : i32
    %sign3A = arith.constant 0 : i32
    %sign3A_40 = arith.cmpi sgt, %mul3A_39, %sign3A : i32
    %sign3A_41 = arith.extui %sign3A_40 : i1 to i32
    %sign3A_42 = arith.constant 0 : i32
    %sign3A_43 = arith.cmpi slt, %mul3A_39, %sign3A_42 : i32
    %sign3A_44 = arith.extui %sign3A_43 : i1 to i32
    %sign3A_45 = arith.subi %sign3A_41, %sign3A_44 : i32
    %sign3A_46 = arith.constant 0 : i32
    %sign3A_47 = arith.cmpi sgt, %jit3A, %sign3A_46 : i32
    %sign3A_48 = arith.extui %sign3A_47 : i1 to i32
    %sign3A_49 = arith.constant 0 : i32
    %sign3A_50 = arith.cmpi slt, %jit3A, %sign3A_49 : i32
    %sign3A_51 = arith.extui %sign3A_50 : i1 to i32
    %sign3A_52 = arith.subi %sign3A_48, %sign3A_51 : i32
    %ne3A = arith.cmpi ne, %sign3A_45, %sign3A_52 : i32
    %rem3A = arith.remsi %mul3A_39, %jit3A : i32
    %ne3A_53 = arith.constant 0 : i32
    %ne3A_54 = arith.cmpi ne, %rem3A, %ne3A_53 : i32
    %and3A = arith.andi %ne3A, %ne3A_54 : i1
    %sub3A_55 = arith.constant 1 : i32
    %sub3A_56 = arith.subi %div3A, %sub3A_55 : i32
    %select_n3A = arith.select %and3A, %sub3A_56, %div3A : i32
    %while3A = arith.constant 0 : i32
    %while3A_57 = arith.subi %select_n3A, %while3A : i32
    %while3A_58 = arith.addi %while3A, %while3A_57 : i32
    %while3A_59 = arith.constant 1 : i32
    %while3A_60 = arith.divsi %while3A_57, %while3A_59 : i32
    %while3A_61 = arith.muli %while3A_60, %while3A_59 : i32
    %while3A_62 = arith.addi %while3A, %while3A_61 : i32
    %while3A_63 = arith.constant 1 : i32
    scf.for %while3A_88 = %while3A to %while3A_62 step %while3A_63  : i32 {
      %mul3A_89 = arith.constant 2 : i32
      %mul3A_90 = arith.muli %mul3A_89, %while3A_88 : i32
      %add3A_91 = arith.constant 0 : i32
      %add3A_92 = arith.addi %mul3A_90, %add3A_91 : i32
      %div3A_93 = arith.divsi %add3A_92, %min3A_4 : i32
      %sign3A_94 = arith.constant 0 : i32
      %sign3A_95 = arith.cmpi sgt, %add3A_92, %sign3A_94 : i32
      %sign3A_96 = arith.extui %sign3A_95 : i1 to i32
      %sign3A_97 = arith.constant 0 : i32
      %sign3A_98 = arith.cmpi slt, %add3A_92, %sign3A_97 : i32
      %sign3A_99 = arith.extui %sign3A_98 : i1 to i32
      %sign3A_100 = arith.subi %sign3A_96, %sign3A_99 : i32
      %sign3A_101 = arith.constant 0 : i32
      %sign3A_102 = arith.cmpi sgt, %min3A_4, %sign3A_101 : i32
      %sign3A_103 = arith.extui %sign3A_102 : i1 to i32
      %sign3A_104 = arith.constant 0 : i32
      %sign3A_105 = arith.cmpi slt, %min3A_4, %sign3A_104 : i32
      %sign3A_106 = arith.extui %sign3A_105 : i1 to i32
      %sign3A_107 = arith.subi %sign3A_103, %sign3A_106 : i32
      %ne3A_108 = arith.cmpi ne, %sign3A_100, %sign3A_107 : i32
      %rem3A_109 = arith.remsi %add3A_92, %min3A_4 : i32
      %ne3A_110 = arith.constant 0 : i32
      %ne3A_111 = arith.cmpi ne, %rem3A_109, %ne3A_110 : i32
      %and3A_112 = arith.andi %ne3A_108, %ne3A_111 : i1
      %sub3A_113 = arith.constant 1 : i32
      %sub3A_114 = arith.subi %div3A_93, %sub3A_113 : i32
      %select_n3A_115 = arith.select %and3A_112, %sub3A_114, %div3A_93 : i32
      %eq3A = arith.constant 0 : i32
      %eq3A_116 = arith.cmpi eq, %min3A_4, %eq3A : i32
      %jit3A_117 = arith.constant 1 : i32
      %select_n3A_118 = arith.select %eq3A_116, %jit3A_117, %min3A_4 : i32
      %rem3A_119 = arith.remsi %add3A_92, %select_n3A_118 : i32
      %ne3A_120 = arith.constant 0 : i32
      %ne3A_121 = arith.cmpi ne, %rem3A_119, %ne3A_120 : i32
      %lt3A = arith.constant 0 : i32
      %lt3A_122 = arith.cmpi slt, %rem3A_119, %lt3A : i32
      %lt3A_123 = arith.constant 0 : i32
      %lt3A_124 = arith.cmpi slt, %select_n3A_118, %lt3A_123 : i32
      %ne3A_125 = arith.xori %lt3A_122, %lt3A_124 : i1
      %and3A_126 = arith.andi %ne3A_125, %ne3A_121 : i1
      %add3A_127 = arith.addi %rem3A_119, %select_n3A_118 : i32
      %select_n3A_128 = arith.select %and3A_126, %add3A_127, %rem3A_119 : i32
      %jit3A_129 = arith.constant 2 : i32
      %eq3A_130 = arith.constant 0 : i32
      %eq3A_131 = arith.cmpi eq, %jit3A_129, %eq3A_130 : i32
      %jit3A_132 = arith.constant 1 : i32
      %select_n3A_133 = arith.select %eq3A_131, %jit3A_132, %jit3A_129 : i32
      %rem3A_134 = arith.remsi %select_n3A_115, %select_n3A_133 : i32
      %ne3A_135 = arith.constant 0 : i32
      %ne3A_136 = arith.cmpi ne, %rem3A_134, %ne3A_135 : i32
      %lt3A_137 = arith.constant 0 : i32
      %lt3A_138 = arith.cmpi slt, %rem3A_134, %lt3A_137 : i32
      %lt3A_139 = arith.constant 0 : i32
      %lt3A_140 = arith.cmpi slt, %select_n3A_133, %lt3A_139 : i32
      %ne3A_141 = arith.xori %lt3A_138, %lt3A_140 : i1
      %and3A_142 = arith.andi %ne3A_141, %ne3A_136 : i1
      %add3A_143 = arith.addi %rem3A_134, %select_n3A_133 : i32
      %select_n3A_144 = arith.select %and3A_142, %add3A_143, %rem3A_134 : i32
      %eq3A_145 = arith.constant 0 : i32
      %eq3A_146 = arith.cmpi eq, %select_n3A_128, %eq3A_145 : i32
      %gt3A_147 = arith.constant 0 : i32
      %gt3A_148 = arith.cmpi sgt, %select_n3A_115, %gt3A_147 : i32
      %and3A_149 = arith.andi %eq3A_146, %gt3A_148 : i1
      %convert_element_type3A_150 = arith.extui %and3A_149 : i1 to i32
      %cond3A_151 = arith.constant 0 : i32
      %cond3A_152 = arith.cmpi ne, %convert_element_type3A_150, %cond3A_151 : i32
      scf.if %cond3A_152 {
        %dma_wait3A_275 = arith.constant 0 : i32
        %dma_wait3A_276 = tpu.memref_slice %arg6[%select_n3A_144, %dma_wait3A_275] : memref<2x4096xi32, #tpu.memory_space<vmem>> -> memref<1x4096xi32, #tpu.memory_space<vmem>>
        %dma_wait3A_277 = tpu.memref_squeeze %dma_wait3A_276 : memref<1x4096xi32, #tpu.memory_space<vmem>> -> memref<4096xi32, #tpu.memory_space<vmem>>
        %dma_wait3A_278 = arith.constant 0 : i32
        %dma_wait3A_279 = tpu.memref_slice %arg3[%select_n3A_115, %dma_wait3A_278] : memref<20x4096xi32, #tpu.memory_space<hbm>> -> memref<1x4096xi32, #tpu.memory_space<hbm>>
        %dma_wait3A_280 = tpu.memref_squeeze %dma_wait3A_279 : memref<1x4096xi32, #tpu.memory_space<hbm>> -> memref<4096xi32, #tpu.memory_space<hbm>>
        %dma_wait3A_281 = arith.constant 0 : i32
        %dma_wait3A_282 = tpu.memref_slice %arg6[%select_n3A_144, %dma_wait3A_281] : memref<2x4096xi32, #tpu.memory_space<vmem>> -> memref<1x4096xi32, #tpu.memory_space<vmem>>
        %dma_wait3A_283 = tpu.memref_squeeze %dma_wait3A_282 : memref<1x4096xi32, #tpu.memory_space<vmem>> -> memref<4096xi32, #tpu.memory_space<vmem>>
        %dma_wait3A_284 = arith.constant 0 : i32
        %dma_wait3A_285 = tpu.memref_slice %arg3[%select_n3A_115, %dma_wait3A_284] : memref<20x4096xi32, #tpu.memory_space<hbm>> -> memref<1x4096xi32, #tpu.memory_space<hbm>>
        %dma_wait3A_286 = tpu.memref_squeeze %dma_wait3A_285 : memref<1x4096xi32, #tpu.memory_space<hbm>> -> memref<4096xi32, #tpu.memory_space<hbm>>
        tpu.wait_dma2 semaphore(%arg11 : memref<!tpu.dma_semaphore, #tpu.memory_space<semaphore_mem>>) src(%dma_wait3A_286 : memref<4096xi32, #tpu.memory_space<hbm>>) dst(%dma_wait3A_283 : memref<4096xi32, #tpu.memory_space<vmem>>)
      } else {
      }
      %sub3A_153 = arith.constant 1 : i32
      %sub3A_154 = arith.subi %min3A_4, %sub3A_153 : i32
      %eq3A_155 = arith.cmpi eq, %select_n3A_128, %sub3A_154 : i32
      %lt3A_156 = arith.constant 19 : i32
      %lt3A_157 = arith.cmpi slt, %select_n3A_115, %lt3A_156 : i32
      %and3A_158 = arith.andi %eq3A_155, %lt3A_157 : i1
      %convert_element_type3A_159 = arith.extui %and3A_158 : i1 to i32
      %cond3A_160 = arith.constant 0 : i32
      %cond3A_161 = arith.cmpi ne, %convert_element_type3A_159, %cond3A_160 : i32
      scf.if %cond3A_161 {
        %add3A_275 = arith.constant 1 : i32
        %add3A_276 = arith.addi %select_n3A_115, %add3A_275 : i32
        %add3A_277 = arith.constant 1 : i32
        %add3A_278 = arith.addi %select_n3A_115, %add3A_277 : i32
        %jit3A_279 = arith.constant 2 : i32
        %eq3A_280 = arith.constant 0 : i32
        %eq3A_281 = arith.cmpi eq, %jit3A_279, %eq3A_280 : i32
        %jit3A_282 = arith.constant 1 : i32
        %select_n3A_283 = arith.select %eq3A_281, %jit3A_282, %jit3A_279 : i32
        %rem3A_284 = arith.remsi %add3A_278, %select_n3A_283 : i32
        %ne3A_285 = arith.constant 0 : i32
        %ne3A_286 = arith.cmpi ne, %rem3A_284, %ne3A_285 : i32
        %lt3A_287 = arith.constant 0 : i32
        %lt3A_288 = arith.cmpi slt, %rem3A_284, %lt3A_287 : i32
        %lt3A_289 = arith.constant 0 : i32
        %lt3A_290 = arith.cmpi slt, %select_n3A_283, %lt3A_289 : i32
        %ne3A_291 = arith.xori %lt3A_288, %lt3A_290 : i1
        %and3A_292 = arith.andi %ne3A_291, %ne3A_286 : i1
        %add3A_293 = arith.addi %rem3A_284, %select_n3A_283 : i32
        %select_n3A_294 = arith.select %and3A_292, %add3A_293, %rem3A_284 : i32
        %dma_start3A_295 = arith.constant 0 : i32
        %dma_start3A_296 = tpu.memref_slice %arg6[%select_n3A_294, %dma_start3A_295] : memref<2x4096xi32, #tpu.memory_space<vmem>> -> memref<1x4096xi32, #tpu.memory_space<vmem>>
        %dma_start3A_297 = tpu.memref_squeeze %dma_start3A_296 : memref<1x4096xi32, #tpu.memory_space<vmem>> -> memref<4096xi32, #tpu.memory_space<vmem>>
        %dma_start3A_298 = arith.constant 0 : i32
        %dma_start3A_299 = tpu.memref_slice %arg3[%add3A_276, %dma_start3A_298] : memref<20x4096xi32, #tpu.memory_space<hbm>> -> memref<1x4096xi32, #tpu.memory_space<hbm>>
        %dma_start3A_300 = tpu.memref_squeeze %dma_start3A_299 : memref<1x4096xi32, #tpu.memory_space<hbm>> -> memref<4096xi32, #tpu.memory_space<hbm>>
        %dma_start3A_301 = arith.constant 0 : i32
        %dma_start3A_302 = tpu.memref_slice %arg6[%select_n3A_294, %dma_start3A_301] : memref<2x4096xi32, #tpu.memory_space<vmem>> -> memref<1x4096xi32, #tpu.memory_space<vmem>>
        %dma_start3A_303 = tpu.memref_squeeze %dma_start3A_302 : memref<1x4096xi32, #tpu.memory_space<vmem>> -> memref<4096xi32, #tpu.memory_space<vmem>>
        %dma_start3A_304 = arith.constant 0 : i32
        %dma_start3A_305 = tpu.memref_slice %arg3[%add3A_276, %dma_start3A_304] : memref<20x4096xi32, #tpu.memory_space<hbm>> -> memref<1x4096xi32, #tpu.memory_space<hbm>>
        %dma_start3A_306 = tpu.memref_squeeze %dma_start3A_305 : memref<1x4096xi32, #tpu.memory_space<hbm>> -> memref<4096xi32, #tpu.memory_space<hbm>>
        tpu.enqueue_dma source(%dma_start3A_306 : memref<4096xi32, #tpu.memory_space<hbm>>) target(%dma_start3A_303 : memref<4096xi32, #tpu.memory_space<vmem>>) target_semaphore(%arg11 : memref<!tpu.dma_semaphore, #tpu.memory_space<semaphore_mem>>)
      } else {
      }
      %gt3A_162 = arith.constant 0 : i32
      %gt3A_163 = arith.cmpi sgt, %while3A_88, %gt3A_162 : i32
      %convert_element_type3A_164 = arith.extui %gt3A_163 : i1 to i32
      %cond3A_165 = arith.constant 0 : i32
      %cond3A_166 = arith.cmpi ne, %convert_element_type3A_164, %cond3A_165 : i32
      scf.if %cond3A_166 {
        %dma_wait3A_275 = arith.constant 0 : i32
        %dma_wait3A_276 = arith.constant 0 : i32
        %dma_wait3A_277 = arith.constant 0 : i32
        %dma_wait3A_278 = arith.constant 0 : i32
        %dma_wait3A_279 = arith.constant 0 : i32
        %dma_wait3A_280 = tpu.memref_slice %arg4[%dma_wait3A_275, %dma_wait3A_276, %dma_wait3A_277, %dma_wait3A_278, %dma_wait3A_279] : memref<20x125x32x8x128xf32, #tpu.memory_space<hbm>> -> memref<1x1x32x8x128xf32, #tpu.memory_space<hbm>>
        %dma_wait3A_281 = tpu.memref_squeeze %dma_wait3A_280 : memref<1x1x32x8x128xf32, #tpu.memory_space<hbm>> -> memref<32x8x128xf32, #tpu.memory_space<hbm>>
        %dma_wait3A_282 = arith.constant 0 : i32
        %dma_wait3A_283 = arith.constant 0 : i32
        %dma_wait3A_284 = arith.constant 0 : i32
        %dma_wait3A_285 = tpu.memref_slice %arg4[%dma_wait3A_275, %dma_wait3A_276, %dma_wait3A_282, %dma_wait3A_283, %dma_wait3A_284] : memref<20x125x32x8x128xf32, #tpu.memory_space<hbm>> -> memref<1x1x32x8x128xf32, #tpu.memory_space<hbm>>
        %dma_wait3A_286 = tpu.memref_squeeze %dma_wait3A_285 : memref<1x1x32x8x128xf32, #tpu.memory_space<hbm>> -> memref<32x8x128xf32, #tpu.memory_space<hbm>>
        tpu.wait_dma2 semaphore(%arg9 : memref<!tpu.dma_semaphore, #tpu.memory_space<semaphore_mem>>) src(%arg7 : memref<32x8x128xf32, #tpu.memory_space<vmem>>) dst(%dma_wait3A_286 : memref<32x8x128xf32, #tpu.memory_space<hbm>>)
      } else {
      }
      %broadcast_in_dim3A_167 = vector.broadcast %select_n3A_128 : i32 to vector<16xi32>
      %parallel_loop3A = arith.constant 0 : i32
      %parallel_loop3A_168 = arith.constant 256 : i32
      %parallel_loop3A_169 = arith.constant 1 : i32
      scf.for %parallel_loop3A_275 = %parallel_loop3A to %parallel_loop3A_168 step %parallel_loop3A_169  : i32 {
        %parallel_loop3A_276 = arith.constant 16 : i32
        %parallel_loop3A_277 = arith.muli %parallel_loop3A_275, %parallel_loop3A_276 : i32
        %parallel_loop3A_278 = arith.index_cast %select_n3A_144 : i32 to index
        %parallel_loop3A_279 = arith.index_cast %parallel_loop3A_277 : i32 to index
        %parallel_loop3A_280 = tpu.vector_load %arg6[%parallel_loop3A_278, %parallel_loop3A_279] {strides = array<i32>} : memref<2x4096xi32, #tpu.memory_space<vmem>>, vector<16xi32>,
        %parallel_loop3A_281 = arith.constant 8 : i32
        %parallel_loop3A_282 = arith.divsi %parallel_loop3A_275, %parallel_loop3A_281 : i32
        %parallel_loop3A_283 = arith.constant 0 : i32
        %parallel_loop3A_284 = arith.cmpi sgt, %parallel_loop3A_275, %parallel_loop3A_283 : i32
        %parallel_loop3A_285 = arith.extui %parallel_loop3A_284 : i1 to i32
        %parallel_loop3A_286 = arith.constant 0 : i32
        %parallel_loop3A_287 = arith.cmpi slt, %parallel_loop3A_275, %parallel_loop3A_286 : i32
        %parallel_loop3A_288 = arith.extui %parallel_loop3A_287 : i1 to i32
        %parallel_loop3A_289 = arith.subi %parallel_loop3A_285, %parallel_loop3A_288 : i32
        %parallel_loop3A_290 = arith.constant 0 : i32
        %parallel_loop3A_291 = arith.cmpi sgt, %parallel_loop3A_281, %parallel_loop3A_290 : i32
        %parallel_loop3A_292 = arith.extui %parallel_loop3A_291 : i1 to i32
        %parallel_loop3A_293 = arith.constant 0 : i32
        %parallel_loop3A_294 = arith.cmpi slt, %parallel_loop3A_281, %parallel_loop3A_293 : i32
        %parallel_loop3A_295 = arith.extui %parallel_loop3A_294 : i1 to i32
        %parallel_loop3A_296 = arith.subi %parallel_loop3A_292, %parallel_loop3A_295 : i32
        %parallel_loop3A_297 = arith.cmpi ne, %parallel_loop3A_289, %parallel_loop3A_296 : i32
        %parallel_loop3A_298 = arith.remsi %parallel_loop3A_275, %parallel_loop3A_281 : i32
        %parallel_loop3A_299 = arith.constant 0 : i32
        %parallel_loop3A_300 = arith.cmpi ne, %parallel_loop3A_298, %parallel_loop3A_299 : i32
        %parallel_loop3A_301 = arith.andi %parallel_loop3A_297, %parallel_loop3A_300 : i1
        %parallel_loop3A_302 = arith.constant 1 : i32
        %parallel_loop3A_303 = arith.subi %parallel_loop3A_282, %parallel_loop3A_302 : i32
        %parallel_loop3A_304 = arith.select %parallel_loop3A_301, %parallel_loop3A_303, %parallel_loop3A_282 : i32
        %parallel_loop3A_305 = arith.constant 8 : i32
        %parallel_loop3A_306 = arith.constant 0 : i32
        %parallel_loop3A_307 = arith.cmpi eq, %parallel_loop3A_305, %parallel_loop3A_306 : i32
        %parallel_loop3A_308 = arith.constant 1 : i32
        %parallel_loop3A_309 = arith.select %parallel_loop3A_307, %parallel_loop3A_308, %parallel_loop3A_305 : i32
        %parallel_loop3A_310 = arith.remsi %parallel_loop3A_275, %parallel_loop3A_309 : i32
        %parallel_loop3A_311 = arith.constant 0 : i32
        %parallel_loop3A_312 = arith.cmpi ne, %parallel_loop3A_310, %parallel_loop3A_311 : i32
        %parallel_loop3A_313 = arith.constant 0 : i32
        %parallel_loop3A_314 = arith.cmpi slt, %parallel_loop3A_310, %parallel_loop3A_313 : i32
        %parallel_loop3A_315 = arith.constant 0 : i32
        %parallel_loop3A_316 = arith.cmpi slt, %parallel_loop3A_309, %parallel_loop3A_315 : i32
        %parallel_loop3A_317 = arith.xori %parallel_loop3A_314, %parallel_loop3A_316 : i1
        %parallel_loop3A_318 = arith.andi %parallel_loop3A_317, %parallel_loop3A_312 : i1
        %parallel_loop3A_319 = arith.addi %parallel_loop3A_310, %parallel_loop3A_309 : i32
        %parallel_loop3A_320 = arith.select %parallel_loop3A_318, %parallel_loop3A_319, %parallel_loop3A_310 : i32
        %parallel_loop3A_321 = arith.constant 16 : i32
        %parallel_loop3A_322 = arith.muli %parallel_loop3A_320, %parallel_loop3A_321 : i32
        %parallel_loop3A_323 = tpu.vector_load_idx %arg5[%broadcast_in_dim3A_167, %broadcast_in_dim3A_22, %parallel_loop3A_280] : memref<4x8x1000xf32, #tpu.memory_space<vmem>>[vector<16xi32>, vector<16xi32>, vector<16xi32>], vector<16xf32>,
        %parallel_loop3A_324 = arith.constant 0 : i32
        %parallel_loop3A_325 = arith.index_cast %parallel_loop3A_304 : i32 to index
        %parallel_loop3A_326 = arith.index_cast %parallel_loop3A_324 : i32 to index
        %parallel_loop3A_327 = arith.index_cast %parallel_loop3A_322 : i32 to index
        %parallel_loop3A_328 = tpu.vector_load %arg7[%parallel_loop3A_325, %parallel_loop3A_326, %parallel_loop3A_327] {strides = array<i32>} : memref<32x8x128xf32, #tpu.memory_space<vmem>>, vector<16xf32>,
        tpu.vector_store %arg7[%parallel_loop3A_325, %parallel_loop3A_326, %parallel_loop3A_327], %parallel_loop3A_323 {strides = array<i32>} : memref<32x8x128xf32, #tpu.memory_space<vmem>>, vector<16xf32>,
        %parallel_loop3A_329 = tpu.vector_load_idx %arg5[%broadcast_in_dim3A_167, %broadcast_in_dim3A_24, %parallel_loop3A_280] : memref<4x8x1000xf32, #tpu.memory_space<vmem>>[vector<16xi32>, vector<16xi32>, vector<16xi32>], vector<16xf32>,
        %parallel_loop3A_330 = arith.constant 1 : i32
        %parallel_loop3A_331 = arith.index_cast %parallel_loop3A_304 : i32 to index
        %parallel_loop3A_332 = arith.index_cast %parallel_loop3A_330 : i32 to index
        %parallel_loop3A_333 = arith.index_cast %parallel_loop3A_322 : i32 to index
        %parallel_loop3A_334 = tpu.vector_load %arg7[%parallel_loop3A_331, %parallel_loop3A_332, %parallel_loop3A_333] {strides = array<i32>} : memref<32x8x128xf32, #tpu.memory_space<vmem>>, vector<16xf32>,
        tpu.vector_store %arg7[%parallel_loop3A_331, %parallel_loop3A_332, %parallel_loop3A_333], %parallel_loop3A_329 {strides = array<i32>} : memref<32x8x128xf32, #tpu.memory_space<vmem>>, vector<16xf32>,
        %parallel_loop3A_335 = tpu.vector_load_idx %arg5[%broadcast_in_dim3A_167, %broadcast_in_dim3A_26, %parallel_loop3A_280] : memref<4x8x1000xf32, #tpu.memory_space<vmem>>[vector<16xi32>, vector<16xi32>, vector<16xi32>], vector<16xf32>,
        %parallel_loop3A_336 = arith.constant 2 : i32
        %parallel_loop3A_337 = arith.index_cast %parallel_loop3A_304 : i32 to index
        %parallel_loop3A_338 = arith.index_cast %parallel_loop3A_336 : i32 to index
        %parallel_loop3A_339 = arith.index_cast %parallel_loop3A_322 : i32 to index
        %parallel_loop3A_340 = tpu.vector_load %arg7[%parallel_loop3A_337, %parallel_loop3A_338, %parallel_loop3A_339] {strides = array<i32>} : memref<32x8x128xf32, #tpu.memory_space<vmem>>, vector<16xf32>,
        tpu.vector_store %arg7[%parallel_loop3A_337, %parallel_loop3A_338, %parallel_loop3A_339], %parallel_loop3A_335 {strides = array<i32>} : memref<32x8x128xf32, #tpu.memory_space<vmem>>, vector<16xf32>,
        %parallel_loop3A_341 = tpu.vector_load_idx %arg5[%broadcast_in_dim3A_167, %broadcast_in_dim3A_28, %parallel_loop3A_280] : memref<4x8x1000xf32, #tpu.memory_space<vmem>>[vector<16xi32>, vector<16xi32>, vector<16xi32>], vector<16xf32>,
        %parallel_loop3A_342 = arith.constant 3 : i32
        %parallel_loop3A_343 = arith.index_cast %parallel_loop3A_304 : i32 to index
        %parallel_loop3A_344 = arith.index_cast %parallel_loop3A_342 : i32 to index
        %parallel_loop3A_345 = arith.index_cast %parallel_loop3A_322 : i32 to index
        %parallel_loop3A_346 = tpu.vector_load %arg7[%parallel_loop3A_343, %parallel_loop3A_344, %parallel_loop3A_345] {strides = array<i32>} : memref<32x8x128xf32, #tpu.memory_space<vmem>>, vector<16xf32>,
        tpu.vector_store %arg7[%parallel_loop3A_343, %parallel_loop3A_344, %parallel_loop3A_345], %parallel_loop3A_341 {strides = array<i32>} : memref<32x8x128xf32, #tpu.memory_space<vmem>>, vector<16xf32>,
        %parallel_loop3A_347 = tpu.vector_load_idx %arg5[%broadcast_in_dim3A_167, %broadcast_in_dim3A_30, %parallel_loop3A_280] : memref<4x8x1000xf32, #tpu.memory_space<vmem>>[vector<16xi32>, vector<16xi32>, vector<16xi32>], vector<16xf32>,
        %parallel_loop3A_348 = arith.constant 4 : i32
        %parallel_loop3A_349 = arith.index_cast %parallel_loop3A_304 : i32 to index
        %parallel_loop3A_350 = arith.index_cast %parallel_loop3A_348 : i32 to index
        %parallel_loop3A_351 = arith.index_cast %parallel_loop3A_322 : i32 to index
        %parallel_loop3A_352 = tpu.vector_load %arg7[%parallel_loop3A_349, %parallel_loop3A_350, %parallel_loop3A_351] {strides = array<i32>} : memref<32x8x128xf32, #tpu.memory_space<vmem>>, vector<16xf32>,
        tpu.vector_store %arg7[%parallel_loop3A_349, %parallel_loop3A_350, %parallel_loop3A_351], %parallel_loop3A_347 {strides = array<i32>} : memref<32x8x128xf32, #tpu.memory_space<vmem>>, vector<16xf32>,
        %parallel_loop3A_353 = tpu.vector_load_idx %arg5[%broadcast_in_dim3A_167, %broadcast_in_dim3A_32, %parallel_loop3A_280] : memref<4x8x1000xf32, #tpu.memory_space<vmem>>[vector<16xi32>, vector<16xi32>, vector<16xi32>], vector<16xf32>,
        %parallel_loop3A_354 = arith.constant 5 : i32
        %parallel_loop3A_355 = arith.index_cast %parallel_loop3A_304 : i32 to index
        %parallel_loop3A_356 = arith.index_cast %parallel_loop3A_354 : i32 to index
        %parallel_loop3A_357 = arith.index_cast %parallel_loop3A_322 : i32 to index
        %parallel_loop3A_358 = tpu.vector_load %arg7[%parallel_loop3A_355, %parallel_loop3A_356, %parallel_loop3A_357] {strides = array<i32>} : memref<32x8x128xf32, #tpu.memory_space<vmem>>, vector<16xf32>,
        tpu.vector_store %arg7[%parallel_loop3A_355, %parallel_loop3A_356, %parallel_loop3A_357], %parallel_loop3A_353 {strides = array<i32>} : memref<32x8x128xf32, #tpu.memory_space<vmem>>, vector<16xf32>,
        %parallel_loop3A_359 = tpu.vector_load_idx %arg5[%broadcast_in_dim3A_167, %broadcast_in_dim3A_34, %parallel_loop3A_280] : memref<4x8x1000xf32, #tpu.memory_space<vmem>>[vector<16xi32>, vector<16xi32>, vector<16xi32>], vector<16xf32>,
        %parallel_loop3A_360 = arith.constant 6 : i32
        %parallel_loop3A_361 = arith.index_cast %parallel_loop3A_304 : i32 to index
        %parallel_loop3A_362 = arith.index_cast %parallel_loop3A_360 : i32 to index
        %parallel_loop3A_363 = arith.index_cast %parallel_loop3A_322 : i32 to index
        %parallel_loop3A_364 = tpu.vector_load %arg7[%parallel_loop3A_361, %parallel_loop3A_362, %parallel_loop3A_363] {strides = array<i32>} : memref<32x8x128xf32, #tpu.memory_space<vmem>>, vector<16xf32>,
        tpu.vector_store %arg7[%parallel_loop3A_361, %parallel_loop3A_362, %parallel_loop3A_363], %parallel_loop3A_359 {strides = array<i32>} : memref<32x8x128xf32, #tpu.memory_space<vmem>>, vector<16xf32>,
        %parallel_loop3A_365 = tpu.vector_load_idx %arg5[%broadcast_in_dim3A_167, %broadcast_in_dim3A_36, %parallel_loop3A_280] : memref<4x8x1000xf32, #tpu.memory_space<vmem>>[vector<16xi32>, vector<16xi32>, vector<16xi32>], vector<16xf32>,
        %parallel_loop3A_366 = arith.constant 7 : i32
        %parallel_loop3A_367 = arith.index_cast %parallel_loop3A_304 : i32 to index
        %parallel_loop3A_368 = arith.index_cast %parallel_loop3A_366 : i32 to index
        %parallel_loop3A_369 = arith.index_cast %parallel_loop3A_322 : i32 to index
        %parallel_loop3A_370 = tpu.vector_load %arg7[%parallel_loop3A_367, %parallel_loop3A_368, %parallel_loop3A_369] {strides = array<i32>} : memref<32x8x128xf32, #tpu.memory_space<vmem>>, vector<16xf32>,
        tpu.vector_store %arg7[%parallel_loop3A_367, %parallel_loop3A_368, %parallel_loop3A_369], %parallel_loop3A_365 {strides = array<i32>} : memref<32x8x128xf32, #tpu.memory_space<vmem>>, vector<16xf32>,
      } {sc.loop_unroll_factor = 4 : i64, sc.parallel_access}
      %add3A_170 = arith.addi %mul3A_2, %select_n3A_128 : i32
      %dma_start3A = arith.constant 0 : i32
      %dma_start3A_171 = arith.constant 0 : i32
      %dma_start3A_172 = arith.constant 0 : i32
      %dma_start3A_173 = tpu.memref_slice %arg4[%select_n3A_115, %add3A_170, %dma_start3A, %dma_start3A_171, %dma_start3A_172] : memref<20x125x32x8x128xf32, #tpu.memory_space<hbm>> -> memref<1x1x32x8x128xf32, #tpu.memory_space<hbm>>
      %dma_start3A_174 = tpu.memref_squeeze %dma_start3A_173 : memref<1x1x32x8x128xf32, #tpu.memory_space<hbm>> -> memref<32x8x128xf32, #tpu.memory_space<hbm>>
      %dma_start3A_175 = arith.constant 0 : i32
      %dma_start3A_176 = arith.constant 0 : i32
      %dma_start3A_177 = arith.constant 0 : i32
      %dma_start3A_178 = tpu.memref_slice %arg4[%select_n3A_115, %add3A_170, %dma_start3A_175, %dma_start3A_176, %dma_start3A_177] : memref<20x125x32x8x128xf32, #tpu.memory_space<hbm>> -> memref<1x1x32x8x128xf32, #tpu.memory_space<hbm>>
      %dma_start3A_179 = tpu.memref_squeeze %dma_start3A_178 : memref<1x1x32x8x128xf32, #tpu.memory_space<hbm>> -> memref<32x8x128xf32, #tpu.memory_space<hbm>>
      tpu.enqueue_dma source(%arg7 : memref<32x8x128xf32, #tpu.memory_space<vmem>>) target(%dma_start3A_179 : memref<32x8x128xf32, #tpu.memory_space<hbm>>) target_semaphore(%arg9 : memref<!tpu.dma_semaphore, #tpu.memory_space<semaphore_mem>>)
      %mul3A_180 = arith.constant 2 : i32
      %mul3A_181 = arith.muli %mul3A_180, %while3A_88 : i32
      %add3A_182 = arith.constant 1 : i32
      %add3A_183 = arith.addi %mul3A_181, %add3A_182 : i32
      %div3A_184 = arith.divsi %add3A_183, %min3A_4 : i32
      %sign3A_185 = arith.constant 0 : i32
      %sign3A_186 = arith.cmpi sgt, %add3A_183, %sign3A_185 : i32
      %sign3A_187 = arith.extui %sign3A_186 : i1 to i32
      %sign3A_188 = arith.constant 0 : i32
      %sign3A_189 = arith.cmpi slt, %add3A_183, %sign3A_188 : i32
      %sign3A_190 = arith.extui %sign3A_189 : i1 to i32
      %sign3A_191 = arith.subi %sign3A_187, %sign3A_190 : i32
      %sign3A_192 = arith.constant 0 : i32
      %sign3A_193 = arith.cmpi sgt, %min3A_4, %sign3A_192 : i32
      %sign3A_194 = arith.extui %sign3A_193 : i1 to i32
      %sign3A_195 = arith.constant 0 : i32
      %sign3A_196 = arith.cmpi slt, %min3A_4, %sign3A_195 : i32
      %sign3A_197 = arith.extui %sign3A_196 : i1 to i32
      %sign3A_198 = arith.subi %sign3A_194, %sign3A_197 : i32
      %ne3A_199 = arith.cmpi ne, %sign3A_191, %sign3A_198 : i32
      %rem3A_200 = arith.remsi %add3A_183, %min3A_4 : i32
      %ne3A_201 = arith.constant 0 : i32
      %ne3A_202 = arith.cmpi ne, %rem3A_200, %ne3A_201 : i32
      %and3A_203 = arith.andi %ne3A_199, %ne3A_202 : i1
      %sub3A_204 = arith.constant 1 : i32
      %sub3A_205 = arith.subi %div3A_184, %sub3A_204 : i32
      %select_n3A_206 = arith.select %and3A_203, %sub3A_205, %div3A_184 : i32
      %eq3A_207 = arith.constant 0 : i32
      %eq3A_208 = arith.cmpi eq, %min3A_4, %eq3A_207 : i32
      %jit3A_209 = arith.constant 1 : i32
      %select_n3A_210 = arith.select %eq3A_208, %jit3A_209, %min3A_4 : i32
      %rem3A_211 = arith.remsi %add3A_183, %select_n3A_210 : i32
      %ne3A_212 = arith.constant 0 : i32
      %ne3A_213 = arith.cmpi ne, %rem3A_211, %ne3A_212 : i32
      %lt3A_214 = arith.constant 0 : i32
      %lt3A_215 = arith.cmpi slt, %rem3A_211, %lt3A_214 : i32
      %lt3A_216 = arith.constant 0 : i32
      %lt3A_217 = arith.cmpi slt, %select_n3A_210, %lt3A_216 : i32
      %ne3A_218 = arith.xori %lt3A_215, %lt3A_217 : i1
      %and3A_219 = arith.andi %ne3A_218, %ne3A_213 : i1
      %add3A_220 = arith.addi %rem3A_211, %select_n3A_210 : i32
      %select_n3A_221 = arith.select %and3A_219, %add3A_220, %rem3A_211 : i32
      %jit3A_222 = arith.constant 2 : i32
      %eq3A_223 = arith.constant 0 : i32
      %eq3A_224 = arith.cmpi eq, %jit3A_222, %eq3A_223 : i32
      %jit3A_225 = arith.constant 1 : i32
      %select_n3A_226 = arith.select %eq3A_224, %jit3A_225, %jit3A_222 : i32
      %rem3A_227 = arith.remsi %select_n3A_206, %select_n3A_226 : i32
      %ne3A_228 = arith.constant 0 : i32
      %ne3A_229 = arith.cmpi ne, %rem3A_227, %ne3A_228 : i32
      %lt3A_230 = arith.constant 0 : i32
      %lt3A_231 = arith.cmpi slt, %rem3A_227, %lt3A_230 : i32
      %lt3A_232 = arith.constant 0 : i32
      %lt3A_233 = arith.cmpi slt, %select_n3A_226, %lt3A_232 : i32
      %ne3A_234 = arith.xori %lt3A_231, %lt3A_233 : i1
      %and3A_235 = arith.andi %ne3A_234, %ne3A_229 : i1
      %add3A_236 = arith.addi %rem3A_227, %select_n3A_226 : i32
      %select_n3A_237 = arith.select %and3A_235, %add3A_236, %rem3A_227 : i32
      %eq3A_238 = arith.constant 0 : i32
      %eq3A_239 = arith.cmpi eq, %select_n3A_221, %eq3A_238 : i32
      %gt3A_240 = arith.constant 0 : i32
      %gt3A_241 = arith.cmpi sgt, %select_n3A_206, %gt3A_240 : i32
      %and3A_242 = arith.andi %eq3A_239, %gt3A_241 : i1
      %convert_element_type3A_243 = arith.extui %and3A_242 : i1 to i32
      %cond3A_244 = arith.constant 0 : i32
      %cond3A_245 = arith.cmpi ne, %convert_element_type3A_243, %cond3A_244 : i32
      scf.if %cond3A_245 {
        %dma_wait3A_275 = arith.constant 0 : i32
        %dma_wait3A_276 = tpu.memref_slice %arg6[%select_n3A_237, %dma_wait3A_275] : memref<2x4096xi32, #tpu.memory_space<vmem>> -> memref<1x4096xi32, #tpu.memory_space<vmem>>
        %dma_wait3A_277 = tpu.memref_squeeze %dma_wait3A_276 : memref<1x4096xi32, #tpu.memory_space<vmem>> -> memref<4096xi32, #tpu.memory_space<vmem>>
        %dma_wait3A_278 = arith.constant 0 : i32
        %dma_wait3A_279 = tpu.memref_slice %arg3[%select_n3A_206, %dma_wait3A_278] : memref<20x4096xi32, #tpu.memory_space<hbm>> -> memref<1x4096xi32, #tpu.memory_space<hbm>>
        %dma_wait3A_280 = tpu.memref_squeeze %dma_wait3A_279 : memref<1x4096xi32, #tpu.memory_space<hbm>> -> memref<4096xi32, #tpu.memory_space<hbm>>
        %dma_wait3A_281 = arith.constant 0 : i32
        %dma_wait3A_282 = tpu.memref_slice %arg6[%select_n3A_237, %dma_wait3A_281] : memref<2x4096xi32, #tpu.memory_space<vmem>> -> memref<1x4096xi32, #tpu.memory_space<vmem>>
        %dma_wait3A_283 = tpu.memref_squeeze %dma_wait3A_282 : memref<1x4096xi32, #tpu.memory_space<vmem>> -> memref<4096xi32, #tpu.memory_space<vmem>>
        %dma_wait3A_284 = arith.constant 0 : i32
        %dma_wait3A_285 = tpu.memref_slice %arg3[%select_n3A_206, %dma_wait3A_284] : memref<20x4096xi32, #tpu.memory_space<hbm>> -> memref<1x4096xi32, #tpu.memory_space<hbm>>
        %dma_wait3A_286 = tpu.memref_squeeze %dma_wait3A_285 : memref<1x4096xi32, #tpu.memory_space<hbm>> -> memref<4096xi32, #tpu.memory_space<hbm>>
        tpu.wait_dma2 semaphore(%arg11 : memref<!tpu.dma_semaphore, #tpu.memory_space<semaphore_mem>>) src(%dma_wait3A_286 : memref<4096xi32, #tpu.memory_space<hbm>>) dst(%dma_wait3A_283 : memref<4096xi32, #tpu.memory_space<vmem>>)
      } else {
      }
      %sub3A_246 = arith.constant 1 : i32
      %sub3A_247 = arith.subi %min3A_4, %sub3A_246 : i32
      %eq3A_248 = arith.cmpi eq, %select_n3A_221, %sub3A_247 : i32
      %lt3A_249 = arith.constant 19 : i32
      %lt3A_250 = arith.cmpi slt, %select_n3A_206, %lt3A_249 : i32
      %and3A_251 = arith.andi %eq3A_248, %lt3A_250 : i1
      %convert_element_type3A_252 = arith.extui %and3A_251 : i1 to i32
      %cond3A_253 = arith.constant 0 : i32
      %cond3A_254 = arith.cmpi ne, %convert_element_type3A_252, %cond3A_253 : i32
      scf.if %cond3A_254 {
        %add3A_275 = arith.constant 1 : i32
        %add3A_276 = arith.addi %select_n3A_206, %add3A_275 : i32
        %add3A_277 = arith.constant 1 : i32
        %add3A_278 = arith.addi %select_n3A_206, %add3A_277 : i32
        %jit3A_279 = arith.constant 2 : i32
        %eq3A_280 = arith.constant 0 : i32
        %eq3A_281 = arith.cmpi eq, %jit3A_279, %eq3A_280 : i32
        %jit3A_282 = arith.constant 1 : i32
        %select_n3A_283 = arith.select %eq3A_281, %jit3A_282, %jit3A_279 : i32
        %rem3A_284 = arith.remsi %add3A_278, %select_n3A_283 : i32
        %ne3A_285 = arith.constant 0 : i32
        %ne3A_286 = arith.cmpi ne, %rem3A_284, %ne3A_285 : i32
        %lt3A_287 = arith.constant 0 : i32
        %lt3A_288 = arith.cmpi slt, %rem3A_284, %lt3A_287 : i32
        %lt3A_289 = arith.constant 0 : i32
        %lt3A_290 = arith.cmpi slt, %select_n3A_283, %lt3A_289 : i32
        %ne3A_291 = arith.xori %lt3A_288, %lt3A_290 : i1
        %and3A_292 = arith.andi %ne3A_291, %ne3A_286 : i1
        %add3A_293 = arith.addi %rem3A_284, %select_n3A_283 : i32
        %select_n3A_294 = arith.select %and3A_292, %add3A_293, %rem3A_284 : i32
        %dma_start3A_295 = arith.constant 0 : i32
        %dma_start3A_296 = tpu.memref_slice %arg6[%select_n3A_294, %dma_start3A_295] : memref<2x4096xi32, #tpu.memory_space<vmem>> -> memref<1x4096xi32, #tpu.memory_space<vmem>>
        %dma_start3A_297 = tpu.memref_squeeze %dma_start3A_296 : memref<1x4096xi32, #tpu.memory_space<vmem>> -> memref<4096xi32, #tpu.memory_space<vmem>>
        %dma_start3A_298 = arith.constant 0 : i32
        %dma_start3A_299 = tpu.memref_slice %arg3[%add3A_276, %dma_start3A_298] : memref<20x4096xi32, #tpu.memory_space<hbm>> -> memref<1x4096xi32, #tpu.memory_space<hbm>>
        %dma_start3A_300 = tpu.memref_squeeze %dma_start3A_299 : memref<1x4096xi32, #tpu.memory_space<hbm>> -> memref<4096xi32, #tpu.memory_space<hbm>>
        %dma_start3A_301 = arith.constant 0 : i32
        %dma_start3A_302 = tpu.memref_slice %arg6[%select_n3A_294, %dma_start3A_301] : memref<2x4096xi32, #tpu.memory_space<vmem>> -> memref<1x4096xi32, #tpu.memory_space<vmem>>
        %dma_start3A_303 = tpu.memref_squeeze %dma_start3A_302 : memref<1x4096xi32, #tpu.memory_space<vmem>> -> memref<4096xi32, #tpu.memory_space<vmem>>
        %dma_start3A_304 = arith.constant 0 : i32
        %dma_start3A_305 = tpu.memref_slice %arg3[%add3A_276, %dma_start3A_304] : memref<20x4096xi32, #tpu.memory_space<hbm>> -> memref<1x4096xi32, #tpu.memory_space<hbm>>
        %dma_start3A_306 = tpu.memref_squeeze %dma_start3A_305 : memref<1x4096xi32, #tpu.memory_space<hbm>> -> memref<4096xi32, #tpu.memory_space<hbm>>
        tpu.enqueue_dma source(%dma_start3A_306 : memref<4096xi32, #tpu.memory_space<hbm>>) target(%dma_start3A_303 : memref<4096xi32, #tpu.memory_space<vmem>>) target_semaphore(%arg11 : memref<!tpu.dma_semaphore, #tpu.memory_space<semaphore_mem>>)
      } else {
      }
      %gt3A_255 = arith.constant 0 : i32
      %gt3A_256 = arith.cmpi sgt, %while3A_88, %gt3A_255 : i32
      %convert_element_type3A_257 = arith.extui %gt3A_256 : i1 to i32
      %cond3A_258 = arith.constant 0 : i32
      %cond3A_259 = arith.cmpi ne, %convert_element_type3A_257, %cond3A_258 : i32
      scf.if %cond3A_259 {
        %dma_wait3A_275 = arith.constant 0 : i32
        %dma_wait3A_276 = arith.constant 0 : i32
        %dma_wait3A_277 = arith.constant 0 : i32
        %dma_wait3A_278 = arith.constant 0 : i32
        %dma_wait3A_279 = arith.constant 0 : i32
        %dma_wait3A_280 = tpu.memref_slice %arg4[%dma_wait3A_275, %dma_wait3A_276, %dma_wait3A_277, %dma_wait3A_278, %dma_wait3A_279] : memref<20x125x32x8x128xf32, #tpu.memory_space<hbm>> -> memref<1x1x32x8x128xf32, #tpu.memory_space<hbm>>
        %dma_wait3A_281 = tpu.memref_squeeze %dma_wait3A_280 : memref<1x1x32x8x128xf32, #tpu.memory_space<hbm>> -> memref<32x8x128xf32, #tpu.memory_space<hbm>>
        %dma_wait3A_282 = arith.constant 0 : i32
        %dma_wait3A_283 = arith.constant 0 : i32
        %dma_wait3A_284 = arith.constant 0 : i32
        %dma_wait3A_285 = tpu.memref_slice %arg4[%dma_wait3A_275, %dma_wait3A_276, %dma_wait3A_282, %dma_wait3A_283, %dma_wait3A_284] : memref<20x125x32x8x128xf32, #tpu.memory_space<hbm>> -> memref<1x1x32x8x128xf32, #tpu.memory_space<hbm>>
        %dma_wait3A_286 = tpu.memref_squeeze %dma_wait3A_285 : memref<1x1x32x8x128xf32, #tpu.memory_space<hbm>> -> memref<32x8x128xf32, #tpu.memory_space<hbm>>
        tpu.wait_dma2 semaphore(%arg10 : memref<!tpu.dma_semaphore, #tpu.memory_space<semaphore_mem>>) src(%arg8 : memref<32x8x128xf32, #tpu.memory_space<vmem>>) dst(%dma_wait3A_286 : memref<32x8x128xf32, #tpu.memory_space<hbm>>)
      } else {
      }
      %broadcast_in_dim3A_260 = vector.broadcast %select_n3A_221 : i32 to vector<16xi32>
      %parallel_loop3A_261 = arith.constant 0 : i32
      %parallel_loop3A_262 = arith.constant 256 : i32
      %parallel_loop3A_263 = arith.constant 1 : i32
      scf.for %parallel_loop3A_275 = %parallel_loop3A_261 to %parallel_loop3A_262 step %parallel_loop3A_263  : i32 {
        %parallel_loop3A_276 = arith.constant 16 : i32
        %parallel_loop3A_277 = arith.muli %parallel_loop3A_275, %parallel_loop3A_276 : i32
        %parallel_loop3A_278 = arith.index_cast %select_n3A_237 : i32 to index
        %parallel_loop3A_279 = arith.index_cast %parallel_loop3A_277 : i32 to index
        %parallel_loop3A_280 = tpu.vector_load %arg6[%parallel_loop3A_278, %parallel_loop3A_279] {strides = array<i32>} : memref<2x4096xi32, #tpu.memory_space<vmem>>, vector<16xi32>,
        %parallel_loop3A_281 = arith.constant 8 : i32
        %parallel_loop3A_282 = arith.divsi %parallel_loop3A_275, %parallel_loop3A_281 : i32
        %parallel_loop3A_283 = arith.constant 0 : i32
        %parallel_loop3A_284 = arith.cmpi sgt, %parallel_loop3A_275, %parallel_loop3A_283 : i32
        %parallel_loop3A_285 = arith.extui %parallel_loop3A_284 : i1 to i32
        %parallel_loop3A_286 = arith.constant 0 : i32
        %parallel_loop3A_287 = arith.cmpi slt, %parallel_loop3A_275, %parallel_loop3A_286 : i32
        %parallel_loop3A_288 = arith.extui %parallel_loop3A_287 : i1 to i32
        %parallel_loop3A_289 = arith.subi %parallel_loop3A_285, %parallel_loop3A_288 : i32
        %parallel_loop3A_290 = arith.constant 0 : i32
        %parallel_loop3A_291 = arith.cmpi sgt, %parallel_loop3A_281, %parallel_loop3A_290 : i32
        %parallel_loop3A_292 = arith.extui %parallel_loop3A_291 : i1 to i32
        %parallel_loop3A_293 = arith.constant 0 : i32
        %parallel_loop3A_294 = arith.cmpi slt, %parallel_loop3A_281, %parallel_loop3A_293 : i32
        %parallel_loop3A_295 = arith.extui %parallel_loop3A_294 : i1 to i32
        %parallel_loop3A_296 = arith.subi %parallel_loop3A_292, %parallel_loop3A_295 : i32
        %parallel_loop3A_297 = arith.cmpi ne, %parallel_loop3A_289, %parallel_loop3A_296 : i32
        %parallel_loop3A_298 = arith.remsi %parallel_loop3A_275, %parallel_loop3A_281 : i32
        %parallel_loop3A_299 = arith.constant 0 : i32
        %parallel_loop3A_300 = arith.cmpi ne, %parallel_loop3A_298, %parallel_loop3A_299 : i32
        %parallel_loop3A_301 = arith.andi %parallel_loop3A_297, %parallel_loop3A_300 : i1
        %parallel_loop3A_302 = arith.constant 1 : i32
        %parallel_loop3A_303 = arith.subi %parallel_loop3A_282, %parallel_loop3A_302 : i32
        %parallel_loop3A_304 = arith.select %parallel_loop3A_301, %parallel_loop3A_303, %parallel_loop3A_282 : i32
        %parallel_loop3A_305 = arith.constant 8 : i32
        %parallel_loop3A_306 = arith.constant 0 : i32
        %parallel_loop3A_307 = arith.cmpi eq, %parallel_loop3A_305, %parallel_loop3A_306 : i32
        %parallel_loop3A_308 = arith.constant 1 : i32
        %parallel_loop3A_309 = arith.select %parallel_loop3A_307, %parallel_loop3A_308, %parallel_loop3A_305 : i32
        %parallel_loop3A_310 = arith.remsi %parallel_loop3A_275, %parallel_loop3A_309 : i32
        %parallel_loop3A_311 = arith.constant 0 : i32
        %parallel_loop3A_312 = arith.cmpi ne, %parallel_loop3A_310, %parallel_loop3A_311 : i32
        %parallel_loop3A_313 = arith.constant 0 : i32
        %parallel_loop3A_314 = arith.cmpi slt, %parallel_loop3A_310, %parallel_loop3A_313 : i32
        %parallel_loop3A_315 = arith.constant 0 : i32
        %parallel_loop3A_316 = arith.cmpi slt, %parallel_loop3A_309, %parallel_loop3A_315 : i32
        %parallel_loop3A_317 = arith.xori %parallel_loop3A_314, %parallel_loop3A_316 : i1
        %parallel_loop3A_318 = arith.andi %parallel_loop3A_317, %parallel_loop3A_312 : i1
        %parallel_loop3A_319 = arith.addi %parallel_loop3A_310, %parallel_loop3A_309 : i32
        %parallel_loop3A_320 = arith.select %parallel_loop3A_318, %parallel_loop3A_319, %parallel_loop3A_310 : i32
        %parallel_loop3A_321 = arith.constant 16 : i32
        %parallel_loop3A_322 = arith.muli %parallel_loop3A_320, %parallel_loop3A_321 : i32
        %parallel_loop3A_323 = tpu.vector_load_idx %arg5[%broadcast_in_dim3A_260, %broadcast_in_dim3A_22, %parallel_loop3A_280] : memref<4x8x1000xf32, #tpu.memory_space<vmem>>[vector<16xi32>, vector<16xi32>, vector<16xi32>], vector<16xf32>,
        %parallel_loop3A_324 = arith.constant 0 : i32
        %parallel_loop3A_325 = arith.index_cast %parallel_loop3A_304 : i32 to index
        %parallel_loop3A_326 = arith.index_cast %parallel_loop3A_324 : i32 to index
        %parallel_loop3A_327 = arith.index_cast %parallel_loop3A_322 : i32 to index
        %parallel_loop3A_328 = tpu.vector_load %arg8[%parallel_loop3A_325, %parallel_loop3A_326, %parallel_loop3A_327] {strides = array<i32>} : memref<32x8x128xf32, #tpu.memory_space<vmem>>, vector<16xf32>,
        tpu.vector_store %arg8[%parallel_loop3A_325, %parallel_loop3A_326, %parallel_loop3A_327], %parallel_loop3A_323 {strides = array<i32>} : memref<32x8x128xf32, #tpu.memory_space<vmem>>, vector<16xf32>,
        %parallel_loop3A_329 = tpu.vector_load_idx %arg5[%broadcast_in_dim3A_260, %broadcast_in_dim3A_24, %parallel_loop3A_280] : memref<4x8x1000xf32, #tpu.memory_space<vmem>>[vector<16xi32>, vector<16xi32>, vector<16xi32>], vector<16xf32>,
        %parallel_loop3A_330 = arith.constant 1 : i32
        %parallel_loop3A_331 = arith.index_cast %parallel_loop3A_304 : i32 to index
        %parallel_loop3A_332 = arith.index_cast %parallel_loop3A_330 : i32 to index
        %parallel_loop3A_333 = arith.index_cast %parallel_loop3A_322 : i32 to index
        %parallel_loop3A_334 = tpu.vector_load %arg8[%parallel_loop3A_331, %parallel_loop3A_332, %parallel_loop3A_333] {strides = array<i32>} : memref<32x8x128xf32, #tpu.memory_space<vmem>>, vector<16xf32>,
        tpu.vector_store %arg8[%parallel_loop3A_331, %parallel_loop3A_332, %parallel_loop3A_333], %parallel_loop3A_329 {strides = array<i32>} : memref<32x8x128xf32, #tpu.memory_space<vmem>>, vector<16xf32>,
        %parallel_loop3A_335 = tpu.vector_load_idx %arg5[%broadcast_in_dim3A_260, %broadcast_in_dim3A_26, %parallel_loop3A_280] : memref<4x8x1000xf32, #tpu.memory_space<vmem>>[vector<16xi32>, vector<16xi32>, vector<16xi32>], vector<16xf32>,
        %parallel_loop3A_336 = arith.constant 2 : i32
        %parallel_loop3A_337 = arith.index_cast %parallel_loop3A_304 : i32 to index
        %parallel_loop3A_338 = arith.index_cast %parallel_loop3A_336 : i32 to index
        %parallel_loop3A_339 = arith.index_cast %parallel_loop3A_322 : i32 to index
        %parallel_loop3A_340 = tpu.vector_load %arg8[%parallel_loop3A_337, %parallel_loop3A_338, %parallel_loop3A_339] {strides = array<i32>} : memref<32x8x128xf32, #tpu.memory_space<vmem>>, vector<16xf32>,
        tpu.vector_store %arg8[%parallel_loop3A_337, %parallel_loop3A_338, %parallel_loop3A_339], %parallel_loop3A_335 {strides = array<i32>} : memref<32x8x128xf32, #tpu.memory_space<vmem>>, vector<16xf32>,
        %parallel_loop3A_341 = tpu.vector_load_idx %arg5[%broadcast_in_dim3A_260, %broadcast_in_dim3A_28, %parallel_loop3A_280] : memref<4x8x1000xf32, #tpu.memory_space<vmem>>[vector<16xi32>, vector<16xi32>, vector<16xi32>], vector<16xf32>,
        %parallel_loop3A_342 = arith.constant 3 : i32
        %parallel_loop3A_343 = arith.index_cast %parallel_loop3A_304 : i32 to index
        %parallel_loop3A_344 = arith.index_cast %parallel_loop3A_342 : i32 to index
        %parallel_loop3A_345 = arith.index_cast %parallel_loop3A_322 : i32 to index
        %parallel_loop3A_346 = tpu.vector_load %arg8[%parallel_loop3A_343, %parallel_loop3A_344, %parallel_loop3A_345] {strides = array<i32>} : memref<32x8x128xf32, #tpu.memory_space<vmem>>, vector<16xf32>,
        tpu.vector_store %arg8[%parallel_loop3A_343, %parallel_loop3A_344, %parallel_loop3A_345], %parallel_loop3A_341 {strides = array<i32>} : memref<32x8x128xf32, #tpu.memory_space<vmem>>, vector<16xf32>,
        %parallel_loop3A_347 = tpu.vector_load_idx %arg5[%broadcast_in_dim3A_260, %broadcast_in_dim3A_30, %parallel_loop3A_280] : memref<4x8x1000xf32, #tpu.memory_space<vmem>>[vector<16xi32>, vector<16xi32>, vector<16xi32>], vector<16xf32>,
        %parallel_loop3A_348 = arith.constant 4 : i32
        %parallel_loop3A_349 = arith.index_cast %parallel_loop3A_304 : i32 to index
        %parallel_loop3A_350 = arith.index_cast %parallel_loop3A_348 : i32 to index
        %parallel_loop3A_351 = arith.index_cast %parallel_loop3A_322 : i32 to index
        %parallel_loop3A_352 = tpu.vector_load %arg8[%parallel_loop3A_349, %parallel_loop3A_350, %parallel_loop3A_351] {strides = array<i32>} : memref<32x8x128xf32, #tpu.memory_space<vmem>>, vector<16xf32>,
        tpu.vector_store %arg8[%parallel_loop3A_349, %parallel_loop3A_350, %parallel_loop3A_351], %parallel_loop3A_347 {strides = array<i32>} : memref<32x8x128xf32, #tpu.memory_space<vmem>>, vector<16xf32>,
        %parallel_loop3A_353 = tpu.vector_load_idx %arg5[%broadcast_in_dim3A_260, %broadcast_in_dim3A_32, %parallel_loop3A_280] : memref<4x8x1000xf32, #tpu.memory_space<vmem>>[vector<16xi32>, vector<16xi32>, vector<16xi32>], vector<16xf32>,
        %parallel_loop3A_354 = arith.constant 5 : i32
        %parallel_loop3A_355 = arith.index_cast %parallel_loop3A_304 : i32 to index
        %parallel_loop3A_356 = arith.index_cast %parallel_loop3A_354 : i32 to index
        %parallel_loop3A_357 = arith.index_cast %parallel_loop3A_322 : i32 to index
        %parallel_loop3A_358 = tpu.vector_load %arg8[%parallel_loop3A_355, %parallel_loop3A_356, %parallel_loop3A_357] {strides = array<i32>} : memref<32x8x128xf32, #tpu.memory_space<vmem>>, vector<16xf32>,
        tpu.vector_store %arg8[%parallel_loop3A_355, %parallel_loop3A_356, %parallel_loop3A_357], %parallel_loop3A_353 {strides = array<i32>} : memref<32x8x128xf32, #tpu.memory_space<vmem>>, vector<16xf32>,
        %parallel_loop3A_359 = tpu.vector_load_idx %arg5[%broadcast_in_dim3A_260, %broadcast_in_dim3A_34, %parallel_loop3A_280] : memref<4x8x1000xf32, #tpu.memory_space<vmem>>[vector<16xi32>, vector<16xi32>, vector<16xi32>], vector<16xf32>,
        %parallel_loop3A_360 = arith.constant 6 : i32
        %parallel_loop3A_361 = arith.index_cast %parallel_loop3A_304 : i32 to index
        %parallel_loop3A_362 = arith.index_cast %parallel_loop3A_360 : i32 to index
        %parallel_loop3A_363 = arith.index_cast %parallel_loop3A_322 : i32 to index
        %parallel_loop3A_364 = tpu.vector_load %arg8[%parallel_loop3A_361, %parallel_loop3A_362, %parallel_loop3A_363] {strides = array<i32>} : memref<32x8x128xf32, #tpu.memory_space<vmem>>, vector<16xf32>,
        tpu.vector_store %arg8[%parallel_loop3A_361, %parallel_loop3A_362, %parallel_loop3A_363], %parallel_loop3A_359 {strides = array<i32>} : memref<32x8x128xf32, #tpu.memory_space<vmem>>, vector<16xf32>,
        %parallel_loop3A_365 = tpu.vector_load_idx %arg5[%broadcast_in_dim3A_260, %broadcast_in_dim3A_36, %parallel_loop3A_280] : memref<4x8x1000xf32, #tpu.memory_space<vmem>>[vector<16xi32>, vector<16xi32>, vector<16xi32>], vector<16xf32>,
        %parallel_loop3A_366 = arith.constant 7 : i32
        %parallel_loop3A_367 = arith.index_cast %parallel_loop3A_304 : i32 to index
        %parallel_loop3A_368 = arith.index_cast %parallel_loop3A_366 : i32 to index
        %parallel_loop3A_369 = arith.index_cast %parallel_loop3A_322 : i32 to index
        %parallel_loop3A_370 = tpu.vector_load %arg8[%parallel_loop3A_367, %parallel_loop3A_368, %parallel_loop3A_369] {strides = array<i32>} : memref<32x8x128xf32, #tpu.memory_space<vmem>>, vector<16xf32>,
        tpu.vector_store %arg8[%parallel_loop3A_367, %parallel_loop3A_368, %parallel_loop3A_369], %parallel_loop3A_365 {strides = array<i32>} : memref<32x8x128xf32, #tpu.memory_space<vmem>>, vector<16xf32>,
      } {sc.loop_unroll_factor = 4 : i64, sc.parallel_access}
      %add3A_264 = arith.addi %mul3A_2, %select_n3A_221 : i32
      %dma_start3A_265 = arith.constant 0 : i32
      %dma_start3A_266 = arith.constant 0 : i32
      %dma_start3A_267 = arith.constant 0 : i32
      %dma_start3A_268 = tpu.memref_slice %arg4[%select_n3A_206, %add3A_264, %dma_start3A_265, %dma_start3A_266, %dma_start3A_267] : memref<20x125x32x8x128xf32, #tpu.memory_space<hbm>> -> memref<1x1x32x8x128xf32, #tpu.memory_space<hbm>>
      %dma_start3A_269 = tpu.memref_squeeze %dma_start3A_268 : memref<1x1x32x8x128xf32, #tpu.memory_space<hbm>> -> memref<32x8x128xf32, #tpu.memory_space<hbm>>
      %dma_start3A_270 = arith.constant 0 : i32
      %dma_start3A_271 = arith.constant 0 : i32
      %dma_start3A_272 = arith.constant 0 : i32
      %dma_start3A_273 = tpu.memref_slice %arg4[%select_n3A_206, %add3A_264, %dma_start3A_270, %dma_start3A_271, %dma_start3A_272] : memref<20x125x32x8x128xf32, #tpu.memory_space<hbm>> -> memref<1x1x32x8x128xf32, #tpu.memory_space<hbm>>
      %dma_start3A_274 = tpu.memref_squeeze %dma_start3A_273 : memref<1x1x32x8x128xf32, #tpu.memory_space<hbm>> -> memref<32x8x128xf32, #tpu.memory_space<hbm>>
      tpu.enqueue_dma source(%arg8 : memref<32x8x128xf32, #tpu.memory_space<vmem>>) target(%dma_start3A_274 : memref<32x8x128xf32, #tpu.memory_space<hbm>>) target_semaphore(%arg10 : memref<!tpu.dma_semaphore, #tpu.memory_space<semaphore_mem>>)
    }
    %while3A_64 = arith.constant 1 : i32
    scf.for %while3A_88 = %while3A_62 to %while3A_58 step %while3A_64  : i32 {
      %mul3A_89 = arith.constant 2 : i32
      %mul3A_90 = arith.muli %mul3A_89, %while3A_88 : i32
      %add3A_91 = arith.constant 0 : i32
      %add3A_92 = arith.addi %mul3A_90, %add3A_91 : i32
      %div3A_93 = arith.divsi %add3A_92, %min3A_4 : i32
      %sign3A_94 = arith.constant 0 : i32
      %sign3A_95 = arith.cmpi sgt, %add3A_92, %sign3A_94 : i32
      %sign3A_96 = arith.extui %sign3A_95 : i1 to i32
      %sign3A_97 = arith.constant 0 : i32
      %sign3A_98 = arith.cmpi slt, %add3A_92, %sign3A_97 : i32
      %sign3A_99 = arith.extui %sign3A_98 : i1 to i32
      %sign3A_100 = arith.subi %sign3A_96, %sign3A_99 : i32
      %sign3A_101 = arith.constant 0 : i32
      %sign3A_102 = arith.cmpi sgt, %min3A_4, %sign3A_101 : i32
      %sign3A_103 = arith.extui %sign3A_102 : i1 to i32
      %sign3A_104 = arith.constant 0 : i32
      %sign3A_105 = arith.cmpi slt, %min3A_4, %sign3A_104 : i32
      %sign3A_106 = arith.extui %sign3A_105 : i1 to i32
      %sign3A_107 = arith.subi %sign3A_103, %sign3A_106 : i32
      %ne3A_108 = arith.cmpi ne, %sign3A_100, %sign3A_107 : i32
      %rem3A_109 = arith.remsi %add3A_92, %min3A_4 : i32
      %ne3A_110 = arith.constant 0 : i32
      %ne3A_111 = arith.cmpi ne, %rem3A_109, %ne3A_110 : i32
      %and3A_112 = arith.andi %ne3A_108, %ne3A_111 : i1
      %sub3A_113 = arith.constant 1 : i32
      %sub3A_114 = arith.subi %div3A_93, %sub3A_113 : i32
      %select_n3A_115 = arith.select %and3A_112, %sub3A_114, %div3A_93 : i32
      %eq3A = arith.constant 0 : i32
      %eq3A_116 = arith.cmpi eq, %min3A_4, %eq3A : i32
      %jit3A_117 = arith.constant 1 : i32
      %select_n3A_118 = arith.select %eq3A_116, %jit3A_117, %min3A_4 : i32
      %rem3A_119 = arith.remsi %add3A_92, %select_n3A_118 : i32
      %ne3A_120 = arith.constant 0 : i32
      %ne3A_121 = arith.cmpi ne, %rem3A_119, %ne3A_120 : i32
      %lt3A = arith.constant 0 : i32
      %lt3A_122 = arith.cmpi slt, %rem3A_119, %lt3A : i32
      %lt3A_123 = arith.constant 0 : i32
      %lt3A_124 = arith.cmpi slt, %select_n3A_118, %lt3A_123 : i32
      %ne3A_125 = arith.xori %lt3A_122, %lt3A_124 : i1
      %and3A_126 = arith.andi %ne3A_125, %ne3A_121 : i1
      %add3A_127 = arith.addi %rem3A_119, %select_n3A_118 : i32
      %select_n3A_128 = arith.select %and3A_126, %add3A_127, %rem3A_119 : i32
      %jit3A_129 = arith.constant 2 : i32
      %eq3A_130 = arith.constant 0 : i32
      %eq3A_131 = arith.cmpi eq, %jit3A_129, %eq3A_130 : i32
      %jit3A_132 = arith.constant 1 : i32
      %select_n3A_133 = arith.select %eq3A_131, %jit3A_132, %jit3A_129 : i32
      %rem3A_134 = arith.remsi %select_n3A_115, %select_n3A_133 : i32
      %ne3A_135 = arith.constant 0 : i32
      %ne3A_136 = arith.cmpi ne, %rem3A_134, %ne3A_135 : i32
      %lt3A_137 = arith.constant 0 : i32
      %lt3A_138 = arith.cmpi slt, %rem3A_134, %lt3A_137 : i32
      %lt3A_139 = arith.constant 0 : i32
      %lt3A_140 = arith.cmpi slt, %select_n3A_133, %lt3A_139 : i32
      %ne3A_141 = arith.xori %lt3A_138, %lt3A_140 : i1
      %and3A_142 = arith.andi %ne3A_141, %ne3A_136 : i1
      %add3A_143 = arith.addi %rem3A_134, %select_n3A_133 : i32
      %select_n3A_144 = arith.select %and3A_142, %add3A_143, %rem3A_134 : i32
      %eq3A_145 = arith.constant 0 : i32
      %eq3A_146 = arith.cmpi eq, %select_n3A_128, %eq3A_145 : i32
      %gt3A_147 = arith.constant 0 : i32
      %gt3A_148 = arith.cmpi sgt, %select_n3A_115, %gt3A_147 : i32
      %and3A_149 = arith.andi %eq3A_146, %gt3A_148 : i1
      %convert_element_type3A_150 = arith.extui %and3A_149 : i1 to i32
      %cond3A_151 = arith.constant 0 : i32
      %cond3A_152 = arith.cmpi ne, %convert_element_type3A_150, %cond3A_151 : i32
      scf.if %cond3A_152 {
        %dma_wait3A_275 = arith.constant 0 : i32
        %dma_wait3A_276 = tpu.memref_slice %arg6[%select_n3A_144, %dma_wait3A_275] : memref<2x4096xi32, #tpu.memory_space<vmem>> -> memref<1x4096xi32, #tpu.memory_space<vmem>>
        %dma_wait3A_277 = tpu.memref_squeeze %dma_wait3A_276 : memref<1x4096xi32, #tpu.memory_space<vmem>> -> memref<4096xi32, #tpu.memory_space<vmem>>
        %dma_wait3A_278 = arith.constant 0 : i32
        %dma_wait3A_279 = tpu.memref_slice %arg3[%select_n3A_115, %dma_wait3A_278] : memref<20x4096xi32, #tpu.memory_space<hbm>> -> memref<1x4096xi32, #tpu.memory_space<hbm>>
        %dma_wait3A_280 = tpu.memref_squeeze %dma_wait3A_279 : memref<1x4096xi32, #tpu.memory_space<hbm>> -> memref<4096xi32, #tpu.memory_space<hbm>>
        %dma_wait3A_281 = arith.constant 0 : i32
        %dma_wait3A_282 = tpu.memref_slice %arg6[%select_n3A_144, %dma_wait3A_281] : memref<2x4096xi32, #tpu.memory_space<vmem>> -> memref<1x4096xi32, #tpu.memory_space<vmem>>
        %dma_wait3A_283 = tpu.memref_squeeze %dma_wait3A_282 : memref<1x4096xi32, #tpu.memory_space<vmem>> -> memref<4096xi32, #tpu.memory_space<vmem>>
        %dma_wait3A_284 = arith.constant 0 : i32
        %dma_wait3A_285 = tpu.memref_slice %arg3[%select_n3A_115, %dma_wait3A_284] : memref<20x4096xi32, #tpu.memory_space<hbm>> -> memref<1x4096xi32, #tpu.memory_space<hbm>>
        %dma_wait3A_286 = tpu.memref_squeeze %dma_wait3A_285 : memref<1x4096xi32, #tpu.memory_space<hbm>> -> memref<4096xi32, #tpu.memory_space<hbm>>
        tpu.wait_dma2 semaphore(%arg11 : memref<!tpu.dma_semaphore, #tpu.memory_space<semaphore_mem>>) src(%dma_wait3A_286 : memref<4096xi32, #tpu.memory_space<hbm>>) dst(%dma_wait3A_283 : memref<4096xi32, #tpu.memory_space<vmem>>)
      } else {
      }
      %sub3A_153 = arith.constant 1 : i32
      %sub3A_154 = arith.subi %min3A_4, %sub3A_153 : i32
      %eq3A_155 = arith.cmpi eq, %select_n3A_128, %sub3A_154 : i32
      %lt3A_156 = arith.constant 19 : i32
      %lt3A_157 = arith.cmpi slt, %select_n3A_115, %lt3A_156 : i32
      %and3A_158 = arith.andi %eq3A_155, %lt3A_157 : i1
      %convert_element_type3A_159 = arith.extui %and3A_158 : i1 to i32
      %cond3A_160 = arith.constant 0 : i32
      %cond3A_161 = arith.cmpi ne, %convert_element_type3A_159, %cond3A_160 : i32
      scf.if %cond3A_161 {
        %add3A_275 = arith.constant 1 : i32
        %add3A_276 = arith.addi %select_n3A_115, %add3A_275 : i32
        %add3A_277 = arith.constant 1 : i32
        %add3A_278 = arith.addi %select_n3A_115, %add3A_277 : i32
        %jit3A_279 = arith.constant 2 : i32
        %eq3A_280 = arith.constant 0 : i32
        %eq3A_281 = arith.cmpi eq, %jit3A_279, %eq3A_280 : i32
        %jit3A_282 = arith.constant 1 : i32
        %select_n3A_283 = arith.select %eq3A_281, %jit3A_282, %jit3A_279 : i32
        %rem3A_284 = arith.remsi %add3A_278, %select_n3A_283 : i32
        %ne3A_285 = arith.constant 0 : i32
        %ne3A_286 = arith.cmpi ne, %rem3A_284, %ne3A_285 : i32
        %lt3A_287 = arith.constant 0 : i32
        %lt3A_288 = arith.cmpi slt, %rem3A_284, %lt3A_287 : i32
        %lt3A_289 = arith.constant 0 : i32
        %lt3A_290 = arith.cmpi slt, %select_n3A_283, %lt3A_289 : i32
        %ne3A_291 = arith.xori %lt3A_288, %lt3A_290 : i1
        %and3A_292 = arith.andi %ne3A_291, %ne3A_286 : i1
        %add3A_293 = arith.addi %rem3A_284, %select_n3A_283 : i32
        %select_n3A_294 = arith.select %and3A_292, %add3A_293, %rem3A_284 : i32
        %dma_start3A_295 = arith.constant 0 : i32
        %dma_start3A_296 = tpu.memref_slice %arg6[%select_n3A_294, %dma_start3A_295] : memref<2x4096xi32, #tpu.memory_space<vmem>> -> memref<1x4096xi32, #tpu.memory_space<vmem>>
        %dma_start3A_297 = tpu.memref_squeeze %dma_start3A_296 : memref<1x4096xi32, #tpu.memory_space<vmem>> -> memref<4096xi32, #tpu.memory_space<vmem>>
        %dma_start3A_298 = arith.constant 0 : i32
        %dma_start3A_299 = tpu.memref_slice %arg3[%add3A_276, %dma_start3A_298] : memref<20x4096xi32, #tpu.memory_space<hbm>> -> memref<1x4096xi32, #tpu.memory_space<hbm>>
        %dma_start3A_300 = tpu.memref_squeeze %dma_start3A_299 : memref<1x4096xi32, #tpu.memory_space<hbm>> -> memref<4096xi32, #tpu.memory_space<hbm>>
        %dma_start3A_301 = arith.constant 0 : i32
        %dma_start3A_302 = tpu.memref_slice %arg6[%select_n3A_294, %dma_start3A_301] : memref<2x4096xi32, #tpu.memory_space<vmem>> -> memref<1x4096xi32, #tpu.memory_space<vmem>>
        %dma_start3A_303 = tpu.memref_squeeze %dma_start3A_302 : memref<1x4096xi32, #tpu.memory_space<vmem>> -> memref<4096xi32, #tpu.memory_space<vmem>>
        %dma_start3A_304 = arith.constant 0 : i32
        %dma_start3A_305 = tpu.memref_slice %arg3[%add3A_276, %dma_start3A_304] : memref<20x4096xi32, #tpu.memory_space<hbm>> -> memref<1x4096xi32, #tpu.memory_space<hbm>>
        %dma_start3A_306 = tpu.memref_squeeze %dma_start3A_305 : memref<1x4096xi32, #tpu.memory_space<hbm>> -> memref<4096xi32, #tpu.memory_space<hbm>>
        tpu.enqueue_dma source(%dma_start3A_306 : memref<4096xi32, #tpu.memory_space<hbm>>) target(%dma_start3A_303 : memref<4096xi32, #tpu.memory_space<vmem>>) target_semaphore(%arg11 : memref<!tpu.dma_semaphore, #tpu.memory_space<semaphore_mem>>)
      } else {
      }
      %gt3A_162 = arith.constant 0 : i32
      %gt3A_163 = arith.cmpi sgt, %while3A_88, %gt3A_162 : i32
      %convert_element_type3A_164 = arith.extui %gt3A_163 : i1 to i32
      %cond3A_165 = arith.constant 0 : i32
      %cond3A_166 = arith.cmpi ne, %convert_element_type3A_164, %cond3A_165 : i32
      scf.if %cond3A_166 {
        %dma_wait3A_275 = arith.constant 0 : i32
        %dma_wait3A_276 = arith.constant 0 : i32
        %dma_wait3A_277 = arith.constant 0 : i32
        %dma_wait3A_278 = arith.constant 0 : i32
        %dma_wait3A_279 = arith.constant 0 : i32
        %dma_wait3A_280 = tpu.memref_slice %arg4[%dma_wait3A_275, %dma_wait3A_276, %dma_wait3A_277, %dma_wait3A_278, %dma_wait3A_279] : memref<20x125x32x8x128xf32, #tpu.memory_space<hbm>> -> memref<1x1x32x8x128xf32, #tpu.memory_space<hbm>>
        %dma_wait3A_281 = tpu.memref_squeeze %dma_wait3A_280 : memref<1x1x32x8x128xf32, #tpu.memory_space<hbm>> -> memref<32x8x128xf32, #tpu.memory_space<hbm>>
        %dma_wait3A_282 = arith.constant 0 : i32
        %dma_wait3A_283 = arith.constant 0 : i32
        %dma_wait3A_284 = arith.constant 0 : i32
        %dma_wait3A_285 = tpu.memref_slice %arg4[%dma_wait3A_275, %dma_wait3A_276, %dma_wait3A_282, %dma_wait3A_283, %dma_wait3A_284] : memref<20x125x32x8x128xf32, #tpu.memory_space<hbm>> -> memref<1x1x32x8x128xf32, #tpu.memory_space<hbm>>
        %dma_wait3A_286 = tpu.memref_squeeze %dma_wait3A_285 : memref<1x1x32x8x128xf32, #tpu.memory_space<hbm>> -> memref<32x8x128xf32, #tpu.memory_space<hbm>>
        tpu.wait_dma2 semaphore(%arg9 : memref<!tpu.dma_semaphore, #tpu.memory_space<semaphore_mem>>) src(%arg7 : memref<32x8x128xf32, #tpu.memory_space<vmem>>) dst(%dma_wait3A_286 : memref<32x8x128xf32, #tpu.memory_space<hbm>>)
      } else {
      }
      %broadcast_in_dim3A_167 = vector.broadcast %select_n3A_128 : i32 to vector<16xi32>
      %parallel_loop3A = arith.constant 0 : i32
      %parallel_loop3A_168 = arith.constant 256 : i32
      %parallel_loop3A_169 = arith.constant 1 : i32
      scf.for %parallel_loop3A_275 = %parallel_loop3A to %parallel_loop3A_168 step %parallel_loop3A_169  : i32 {
        %parallel_loop3A_276 = arith.constant 16 : i32
        %parallel_loop3A_277 = arith.muli %parallel_loop3A_275, %parallel_loop3A_276 : i32
        %parallel_loop3A_278 = arith.index_cast %select_n3A_144 : i32 to index
        %parallel_loop3A_279 = arith.index_cast %parallel_loop3A_277 : i32 to index
        %parallel_loop3A_280 = tpu.vector_load %arg6[%parallel_loop3A_278, %parallel_loop3A_279] {strides = array<i32>} : memref<2x4096xi32, #tpu.memory_space<vmem>>, vector<16xi32>,
        %parallel_loop3A_281 = arith.constant 8 : i32
        %parallel_loop3A_282 = arith.divsi %parallel_loop3A_275, %parallel_loop3A_281 : i32
        %parallel_loop3A_283 = arith.constant 0 : i32
        %parallel_loop3A_284 = arith.cmpi sgt, %parallel_loop3A_275, %parallel_loop3A_283 : i32
        %parallel_loop3A_285 = arith.extui %parallel_loop3A_284 : i1 to i32
        %parallel_loop3A_286 = arith.constant 0 : i32
        %parallel_loop3A_287 = arith.cmpi slt, %parallel_loop3A_275, %parallel_loop3A_286 : i32
        %parallel_loop3A_288 = arith.extui %parallel_loop3A_287 : i1 to i32
        %parallel_loop3A_289 = arith.subi %parallel_loop3A_285, %parallel_loop3A_288 : i32
        %parallel_loop3A_290 = arith.constant 0 : i32
        %parallel_loop3A_291 = arith.cmpi sgt, %parallel_loop3A_281, %parallel_loop3A_290 : i32
        %parallel_loop3A_292 = arith.extui %parallel_loop3A_291 : i1 to i32
        %parallel_loop3A_293 = arith.constant 0 : i32
        %parallel_loop3A_294 = arith.cmpi slt, %parallel_loop3A_281, %parallel_loop3A_293 : i32
        %parallel_loop3A_295 = arith.extui %parallel_loop3A_294 : i1 to i32
        %parallel_loop3A_296 = arith.subi %parallel_loop3A_292, %parallel_loop3A_295 : i32
        %parallel_loop3A_297 = arith.cmpi ne, %parallel_loop3A_289, %parallel_loop3A_296 : i32
        %parallel_loop3A_298 = arith.remsi %parallel_loop3A_275, %parallel_loop3A_281 : i32
        %parallel_loop3A_299 = arith.constant 0 : i32
        %parallel_loop3A_300 = arith.cmpi ne, %parallel_loop3A_298, %parallel_loop3A_299 : i32
        %parallel_loop3A_301 = arith.andi %parallel_loop3A_297, %parallel_loop3A_300 : i1
        %parallel_loop3A_302 = arith.constant 1 : i32
        %parallel_loop3A_303 = arith.subi %parallel_loop3A_282, %parallel_loop3A_302 : i32
        %parallel_loop3A_304 = arith.select %parallel_loop3A_301, %parallel_loop3A_303, %parallel_loop3A_282 : i32
        %parallel_loop3A_305 = arith.constant 8 : i32
        %parallel_loop3A_306 = arith.constant 0 : i32
        %parallel_loop3A_307 = arith.cmpi eq, %parallel_loop3A_305, %parallel_loop3A_306 : i32
        %parallel_loop3A_308 = arith.constant 1 : i32
        %parallel_loop3A_309 = arith.select %parallel_loop3A_307, %parallel_loop3A_308, %parallel_loop3A_305 : i32
        %parallel_loop3A_310 = arith.remsi %parallel_loop3A_275, %parallel_loop3A_309 : i32
        %parallel_loop3A_311 = arith.constant 0 : i32
        %parallel_loop3A_312 = arith.cmpi ne, %parallel_loop3A_310, %parallel_loop3A_311 : i32
        %parallel_loop3A_313 = arith.constant 0 : i32
        %parallel_loop3A_314 = arith.cmpi slt, %parallel_loop3A_310, %parallel_loop3A_313 : i32
        %parallel_loop3A_315 = arith.constant 0 : i32
        %parallel_loop3A_316 = arith.cmpi slt, %parallel_loop3A_309, %parallel_loop3A_315 : i32
        %parallel_loop3A_317 = arith.xori %parallel_loop3A_314, %parallel_loop3A_316 : i1
        %parallel_loop3A_318 = arith.andi %parallel_loop3A_317, %parallel_loop3A_312 : i1
        %parallel_loop3A_319 = arith.addi %parallel_loop3A_310, %parallel_loop3A_309 : i32
        %parallel_loop3A_320 = arith.select %parallel_loop3A_318, %parallel_loop3A_319, %parallel_loop3A_310 : i32
        %parallel_loop3A_321 = arith.constant 16 : i32
        %parallel_loop3A_322 = arith.muli %parallel_loop3A_320, %parallel_loop3A_321 : i32
        %parallel_loop3A_323 = tpu.vector_load_idx %arg5[%broadcast_in_dim3A_167, %broadcast_in_dim3A_22, %parallel_loop3A_280] : memref<4x8x1000xf32, #tpu.memory_space<vmem>>[vector<16xi32>, vector<16xi32>, vector<16xi32>], vector<16xf32>,
        %parallel_loop3A_324 = arith.constant 0 : i32
        %parallel_loop3A_325 = arith.index_cast %parallel_loop3A_304 : i32 to index
        %parallel_loop3A_326 = arith.index_cast %parallel_loop3A_324 : i32 to index
        %parallel_loop3A_327 = arith.index_cast %parallel_loop3A_322 : i32 to index
        %parallel_loop3A_328 = tpu.vector_load %arg7[%parallel_loop3A_325, %parallel_loop3A_326, %parallel_loop3A_327] {strides = array<i32>} : memref<32x8x128xf32, #tpu.memory_space<vmem>>, vector<16xf32>,
        tpu.vector_store %arg7[%parallel_loop3A_325, %parallel_loop3A_326, %parallel_loop3A_327], %parallel_loop3A_323 {strides = array<i32>} : memref<32x8x128xf32, #tpu.memory_space<vmem>>, vector<16xf32>,
        %parallel_loop3A_329 = tpu.vector_load_idx %arg5[%broadcast_in_dim3A_167, %broadcast_in_dim3A_24, %parallel_loop3A_280] : memref<4x8x1000xf32, #tpu.memory_space<vmem>>[vector<16xi32>, vector<16xi32>, vector<16xi32>], vector<16xf32>,
        %parallel_loop3A_330 = arith.constant 1 : i32
        %parallel_loop3A_331 = arith.index_cast %parallel_loop3A_304 : i32 to index
        %parallel_loop3A_332 = arith.index_cast %parallel_loop3A_330 : i32 to index
        %parallel_loop3A_333 = arith.index_cast %parallel_loop3A_322 : i32 to index
        %parallel_loop3A_334 = tpu.vector_load %arg7[%parallel_loop3A_331, %parallel_loop3A_332, %parallel_loop3A_333] {strides = array<i32>} : memref<32x8x128xf32, #tpu.memory_space<vmem>>, vector<16xf32>,
        tpu.vector_store %arg7[%parallel_loop3A_331, %parallel_loop3A_332, %parallel_loop3A_333], %parallel_loop3A_329 {strides = array<i32>} : memref<32x8x128xf32, #tpu.memory_space<vmem>>, vector<16xf32>,
        %parallel_loop3A_335 = tpu.vector_load_idx %arg5[%broadcast_in_dim3A_167, %broadcast_in_dim3A_26, %parallel_loop3A_280] : memref<4x8x1000xf32, #tpu.memory_space<vmem>>[vector<16xi32>, vector<16xi32>, vector<16xi32>], vector<16xf32>,
        %parallel_loop3A_336 = arith.constant 2 : i32
        %parallel_loop3A_337 = arith.index_cast %parallel_loop3A_304 : i32 to index
        %parallel_loop3A_338 = arith.index_cast %parallel_loop3A_336 : i32 to index
        %parallel_loop3A_339 = arith.index_cast %parallel_loop3A_322 : i32 to index
        %parallel_loop3A_340 = tpu.vector_load %arg7[%parallel_loop3A_337, %parallel_loop3A_338, %parallel_loop3A_339] {strides = array<i32>} : memref<32x8x128xf32, #tpu.memory_space<vmem>>, vector<16xf32>,
        tpu.vector_store %arg7[%parallel_loop3A_337, %parallel_loop3A_338, %parallel_loop3A_339], %parallel_loop3A_335 {strides = array<i32>} : memref<32x8x128xf32, #tpu.memory_space<vmem>>, vector<16xf32>,
        %parallel_loop3A_341 = tpu.vector_load_idx %arg5[%broadcast_in_dim3A_167, %broadcast_in_dim3A_28, %parallel_loop3A_280] : memref<4x8x1000xf32, #tpu.memory_space<vmem>>[vector<16xi32>, vector<16xi32>, vector<16xi32>], vector<16xf32>,
        %parallel_loop3A_342 = arith.constant 3 : i32
        %parallel_loop3A_343 = arith.index_cast %parallel_loop3A_304 : i32 to index
        %parallel_loop3A_344 = arith.index_cast %parallel_loop3A_342 : i32 to index
        %parallel_loop3A_345 = arith.index_cast %parallel_loop3A_322 : i32 to index
        %parallel_loop3A_346 = tpu.vector_load %arg7[%parallel_loop3A_343, %parallel_loop3A_344, %parallel_loop3A_345] {strides = array<i32>} : memref<32x8x128xf32, #tpu.memory_space<vmem>>, vector<16xf32>,
        tpu.vector_store %arg7[%parallel_loop3A_343, %parallel_loop3A_344, %parallel_loop3A_345], %parallel_loop3A_341 {strides = array<i32>} : memref<32x8x128xf32, #tpu.memory_space<vmem>>, vector<16xf32>,
        %parallel_loop3A_347 = tpu.vector_load_idx %arg5[%broadcast_in_dim3A_167, %broadcast_in_dim3A_30, %parallel_loop3A_280] : memref<4x8x1000xf32, #tpu.memory_space<vmem>>[vector<16xi32>, vector<16xi32>, vector<16xi32>], vector<16xf32>,
        %parallel_loop3A_348 = arith.constant 4 : i32
        %parallel_loop3A_349 = arith.index_cast %parallel_loop3A_304 : i32 to index
        %parallel_loop3A_350 = arith.index_cast %parallel_loop3A_348 : i32 to index
        %parallel_loop3A_351 = arith.index_cast %parallel_loop3A_322 : i32 to index
        %parallel_loop3A_352 = tpu.vector_load %arg7[%parallel_loop3A_349, %parallel_loop3A_350, %parallel_loop3A_351] {strides = array<i32>} : memref<32x8x128xf32, #tpu.memory_space<vmem>>, vector<16xf32>,
        tpu.vector_store %arg7[%parallel_loop3A_349, %parallel_loop3A_350, %parallel_loop3A_351], %parallel_loop3A_347 {strides = array<i32>} : memref<32x8x128xf32, #tpu.memory_space<vmem>>, vector<16xf32>,
        %parallel_loop3A_353 = tpu.vector_load_idx %arg5[%broadcast_in_dim3A_167, %broadcast_in_dim3A_32, %parallel_loop3A_280] : memref<4x8x1000xf32, #tpu.memory_space<vmem>>[vector<16xi32>, vector<16xi32>, vector<16xi32>], vector<16xf32>,
        %parallel_loop3A_354 = arith.constant 5 : i32
        %parallel_loop3A_355 = arith.index_cast %parallel_loop3A_304 : i32 to index
        %parallel_loop3A_356 = arith.index_cast %parallel_loop3A_354 : i32 to index
        %parallel_loop3A_357 = arith.index_cast %parallel_loop3A_322 : i32 to index
        %parallel_loop3A_358 = tpu.vector_load %arg7[%parallel_loop3A_355, %parallel_loop3A_356, %parallel_loop3A_357] {strides = array<i32>} : memref<32x8x128xf32, #tpu.memory_space<vmem>>, vector<16xf32>,
        tpu.vector_store %arg7[%parallel_loop3A_355, %parallel_loop3A_356, %parallel_loop3A_357], %parallel_loop3A_353 {strides = array<i32>} : memref<32x8x128xf32, #tpu.memory_space<vmem>>, vector<16xf32>,
        %parallel_loop3A_359 = tpu.vector_load_idx %arg5[%broadcast_in_dim3A_167, %broadcast_in_dim3A_34, %parallel_loop3A_280] : memref<4x8x1000xf32, #tpu.memory_space<vmem>>[vector<16xi32>, vector<16xi32>, vector<16xi32>], vector<16xf32>,
        %parallel_loop3A_360 = arith.constant 6 : i32
        %parallel_loop3A_361 = arith.index_cast %parallel_loop3A_304 : i32 to index
        %parallel_loop3A_362 = arith.index_cast %parallel_loop3A_360 : i32 to index
        %parallel_loop3A_363 = arith.index_cast %parallel_loop3A_322 : i32 to index
        %parallel_loop3A_364 = tpu.vector_load %arg7[%parallel_loop3A_361, %parallel_loop3A_362, %parallel_loop3A_363] {strides = array<i32>} : memref<32x8x128xf32, #tpu.memory_space<vmem>>, vector<16xf32>,
        tpu.vector_store %arg7[%parallel_loop3A_361, %parallel_loop3A_362, %parallel_loop3A_363], %parallel_loop3A_359 {strides = array<i32>} : memref<32x8x128xf32, #tpu.memory_space<vmem>>, vector<16xf32>,
        %parallel_loop3A_365 = tpu.vector_load_idx %arg5[%broadcast_in_dim3A_167, %broadcast_in_dim3A_36, %parallel_loop3A_280] : memref<4x8x1000xf32, #tpu.memory_space<vmem>>[vector<16xi32>, vector<16xi32>, vector<16xi32>], vector<16xf32>,
        %parallel_loop3A_366 = arith.constant 7 : i32
        %parallel_loop3A_367 = arith.index_cast %parallel_loop3A_304 : i32 to index
        %parallel_loop3A_368 = arith.index_cast %parallel_loop3A_366 : i32 to index
        %parallel_loop3A_369 = arith.index_cast %parallel_loop3A_322 : i32 to index
        %parallel_loop3A_370 = tpu.vector_load %arg7[%parallel_loop3A_367, %parallel_loop3A_368, %parallel_loop3A_369] {strides = array<i32>} : memref<32x8x128xf32, #tpu.memory_space<vmem>>, vector<16xf32>,
        tpu.vector_store %arg7[%parallel_loop3A_367, %parallel_loop3A_368, %parallel_loop3A_369], %parallel_loop3A_365 {strides = array<i32>} : memref<32x8x128xf32, #tpu.memory_space<vmem>>, vector<16xf32>,
      } {sc.loop_unroll_factor = 4 : i64, sc.parallel_access}
      %add3A_170 = arith.addi %mul3A_2, %select_n3A_128 : i32
      %dma_start3A = arith.constant 0 : i32
      %dma_start3A_171 = arith.constant 0 : i32
      %dma_start3A_172 = arith.constant 0 : i32
      %dma_start3A_173 = tpu.memref_slice %arg4[%select_n3A_115, %add3A_170, %dma_start3A, %dma_start3A_171, %dma_start3A_172] : memref<20x125x32x8x128xf32, #tpu.memory_space<hbm>> -> memref<1x1x32x8x128xf32, #tpu.memory_space<hbm>>
      %dma_start3A_174 = tpu.memref_squeeze %dma_start3A_173 : memref<1x1x32x8x128xf32, #tpu.memory_space<hbm>> -> memref<32x8x128xf32, #tpu.memory_space<hbm>>
      %dma_start3A_175 = arith.constant 0 : i32
      %dma_start3A_176 = arith.constant 0 : i32
      %dma_start3A_177 = arith.constant 0 : i32
      %dma_start3A_178 = tpu.memref_slice %arg4[%select_n3A_115, %add3A_170, %dma_start3A_175, %dma_start3A_176, %dma_start3A_177] : memref<20x125x32x8x128xf32, #tpu.memory_space<hbm>> -> memref<1x1x32x8x128xf32, #tpu.memory_space<hbm>>
      %dma_start3A_179 = tpu.memref_squeeze %dma_start3A_178 : memref<1x1x32x8x128xf32, #tpu.memory_space<hbm>> -> memref<32x8x128xf32, #tpu.memory_space<hbm>>
      tpu.enqueue_dma source(%arg7 : memref<32x8x128xf32, #tpu.memory_space<vmem>>) target(%dma_start3A_179 : memref<32x8x128xf32, #tpu.memory_space<hbm>>) target_semaphore(%arg9 : memref<!tpu.dma_semaphore, #tpu.memory_space<semaphore_mem>>)
      %mul3A_180 = arith.constant 2 : i32
      %mul3A_181 = arith.muli %mul3A_180, %while3A_88 : i32
      %add3A_182 = arith.constant 1 : i32
      %add3A_183 = arith.addi %mul3A_181, %add3A_182 : i32
      %div3A_184 = arith.divsi %add3A_183, %min3A_4 : i32
      %sign3A_185 = arith.constant 0 : i32
      %sign3A_186 = arith.cmpi sgt, %add3A_183, %sign3A_185 : i32
      %sign3A_187 = arith.extui %sign3A_186 : i1 to i32
      %sign3A_188 = arith.constant 0 : i32
      %sign3A_189 = arith.cmpi slt, %add3A_183, %sign3A_188 : i32
      %sign3A_190 = arith.extui %sign3A_189 : i1 to i32
      %sign3A_191 = arith.subi %sign3A_187, %sign3A_190 : i32
      %sign3A_192 = arith.constant 0 : i32
      %sign3A_193 = arith.cmpi sgt, %min3A_4, %sign3A_192 : i32
      %sign3A_194 = arith.extui %sign3A_193 : i1 to i32
      %sign3A_195 = arith.constant 0 : i32
      %sign3A_196 = arith.cmpi slt, %min3A_4, %sign3A_195 : i32
      %sign3A_197 = arith.extui %sign3A_196 : i1 to i32
      %sign3A_198 = arith.subi %sign3A_194, %sign3A_197 : i32
      %ne3A_199 = arith.cmpi ne, %sign3A_191, %sign3A_198 : i32
      %rem3A_200 = arith.remsi %add3A_183, %min3A_4 : i32
      %ne3A_201 = arith.constant 0 : i32
      %ne3A_202 = arith.cmpi ne, %rem3A_200, %ne3A_201 : i32
      %and3A_203 = arith.andi %ne3A_199, %ne3A_202 : i1
      %sub3A_204 = arith.constant 1 : i32
      %sub3A_205 = arith.subi %div3A_184, %sub3A_204 : i32
      %select_n3A_206 = arith.select %and3A_203, %sub3A_205, %div3A_184 : i32
      %eq3A_207 = arith.constant 0 : i32
      %eq3A_208 = arith.cmpi eq, %min3A_4, %eq3A_207 : i32
      %jit3A_209 = arith.constant 1 : i32
      %select_n3A_210 = arith.select %eq3A_208, %jit3A_209, %min3A_4 : i32
      %rem3A_211 = arith.remsi %add3A_183, %select_n3A_210 : i32
      %ne3A_212 = arith.constant 0 : i32
      %ne3A_213 = arith.cmpi ne, %rem3A_211, %ne3A_212 : i32
      %lt3A_214 = arith.constant 0 : i32
      %lt3A_215 = arith.cmpi slt, %rem3A_211, %lt3A_214 : i32
      %lt3A_216 = arith.constant 0 : i32
      %lt3A_217 = arith.cmpi slt, %select_n3A_210, %lt3A_216 : i32
      %ne3A_218 = arith.xori %lt3A_215, %lt3A_217 : i1
      %and3A_219 = arith.andi %ne3A_218, %ne3A_213 : i1
      %add3A_220 = arith.addi %rem3A_211, %select_n3A_210 : i32
      %select_n3A_221 = arith.select %and3A_219, %add3A_220, %rem3A_211 : i32
      %jit3A_222 = arith.constant 2 : i32
      %eq3A_223 = arith.constant 0 : i32
      %eq3A_224 = arith.cmpi eq, %jit3A_222, %eq3A_223 : i32
      %jit3A_225 = arith.constant 1 : i32
      %select_n3A_226 = arith.select %eq3A_224, %jit3A_225, %jit3A_222 : i32
      %rem3A_227 = arith.remsi %select_n3A_206, %select_n3A_226 : i32
      %ne3A_228 = arith.constant 0 : i32
      %ne3A_229 = arith.cmpi ne, %rem3A_227, %ne3A_228 : i32
      %lt3A_230 = arith.constant 0 : i32
      %lt3A_231 = arith.cmpi slt, %rem3A_227, %lt3A_230 : i32
      %lt3A_232 = arith.constant 0 : i32
      %lt3A_233 = arith.cmpi slt, %select_n3A_226, %lt3A_232 : i32
      %ne3A_234 = arith.xori %lt3A_231, %lt3A_233 : i1
      %and3A_235 = arith.andi %ne3A_234, %ne3A_229 : i1
      %add3A_236 = arith.addi %rem3A_227, %select_n3A_226 : i32
      %select_n3A_237 = arith.select %and3A_235, %add3A_236, %rem3A_227 : i32
      %eq3A_238 = arith.constant 0 : i32
      %eq3A_239 = arith.cmpi eq, %select_n3A_221, %eq3A_238 : i32
      %gt3A_240 = arith.constant 0 : i32
      %gt3A_241 = arith.cmpi sgt, %select_n3A_206, %gt3A_240 : i32
      %and3A_242 = arith.andi %eq3A_239, %gt3A_241 : i1
      %convert_element_type3A_243 = arith.extui %and3A_242 : i1 to i32
      %cond3A_244 = arith.constant 0 : i32
      %cond3A_245 = arith.cmpi ne, %convert_element_type3A_243, %cond3A_244 : i32
      scf.if %cond3A_245 {
        %dma_wait3A_275 = arith.constant 0 : i32
        %dma_wait3A_276 = tpu.memref_slice %arg6[%select_n3A_237, %dma_wait3A_275] : memref<2x4096xi32, #tpu.memory_space<vmem>> -> memref<1x4096xi32, #tpu.memory_space<vmem>>
        %dma_wait3A_277 = tpu.memref_squeeze %dma_wait3A_276 : memref<1x4096xi32, #tpu.memory_space<vmem>> -> memref<4096xi32, #tpu.memory_space<vmem>>
        %dma_wait3A_278 = arith.constant 0 : i32
        %dma_wait3A_279 = tpu.memref_slice %arg3[%select_n3A_206, %dma_wait3A_278] : memref<20x4096xi32, #tpu.memory_space<hbm>> -> memref<1x4096xi32, #tpu.memory_space<hbm>>
        %dma_wait3A_280 = tpu.memref_squeeze %dma_wait3A_279 : memref<1x4096xi32, #tpu.memory_space<hbm>> -> memref<4096xi32, #tpu.memory_space<hbm>>
        %dma_wait3A_281 = arith.constant 0 : i32
        %dma_wait3A_282 = tpu.memref_slice %arg6[%select_n3A_237, %dma_wait3A_281] : memref<2x4096xi32, #tpu.memory_space<vmem>> -> memref<1x4096xi32, #tpu.memory_space<vmem>>
        %dma_wait3A_283 = tpu.memref_squeeze %dma_wait3A_282 : memref<1x4096xi32, #tpu.memory_space<vmem>> -> memref<4096xi32, #tpu.memory_space<vmem>>
        %dma_wait3A_284 = arith.constant 0 : i32
        %dma_wait3A_285 = tpu.memref_slice %arg3[%select_n3A_206, %dma_wait3A_284] : memref<20x4096xi32, #tpu.memory_space<hbm>> -> memref<1x4096xi32, #tpu.memory_space<hbm>>
        %dma_wait3A_286 = tpu.memref_squeeze %dma_wait3A_285 : memref<1x4096xi32, #tpu.memory_space<hbm>> -> memref<4096xi32, #tpu.memory_space<hbm>>
        tpu.wait_dma2 semaphore(%arg11 : memref<!tpu.dma_semaphore, #tpu.memory_space<semaphore_mem>>) src(%dma_wait3A_286 : memref<4096xi32, #tpu.memory_space<hbm>>) dst(%dma_wait3A_283 : memref<4096xi32, #tpu.memory_space<vmem>>)
      } else {
      }
      %sub3A_246 = arith.constant 1 : i32
      %sub3A_247 = arith.subi %min3A_4, %sub3A_246 : i32
      %eq3A_248 = arith.cmpi eq, %select_n3A_221, %sub3A_247 : i32
      %lt3A_249 = arith.constant 19 : i32
      %lt3A_250 = arith.cmpi slt, %select_n3A_206, %lt3A_249 : i32
      %and3A_251 = arith.andi %eq3A_248, %lt3A_250 : i1
      %convert_element_type3A_252 = arith.extui %and3A_251 : i1 to i32
      %cond3A_253 = arith.constant 0 : i32
      %cond3A_254 = arith.cmpi ne, %convert_element_type3A_252, %cond3A_253 : i32
      scf.if %cond3A_254 {
        %add3A_275 = arith.constant 1 : i32
        %add3A_276 = arith.addi %select_n3A_206, %add3A_275 : i32
        %add3A_277 = arith.constant 1 : i32
        %add3A_278 = arith.addi %select_n3A_206, %add3A_277 : i32
        %jit3A_279 = arith.constant 2 : i32
        %eq3A_280 = arith.constant 0 : i32
        %eq3A_281 = arith.cmpi eq, %jit3A_279, %eq3A_280 : i32
        %jit3A_282 = arith.constant 1 : i32
        %select_n3A_283 = arith.select %eq3A_281, %jit3A_282, %jit3A_279 : i32
        %rem3A_284 = arith.remsi %add3A_278, %select_n3A_283 : i32
        %ne3A_285 = arith.constant 0 : i32
        %ne3A_286 = arith.cmpi ne, %rem3A_284, %ne3A_285 : i32
        %lt3A_287 = arith.constant 0 : i32
        %lt3A_288 = arith.cmpi slt, %rem3A_284, %lt3A_287 : i32
        %lt3A_289 = arith.constant 0 : i32
        %lt3A_290 = arith.cmpi slt, %select_n3A_283, %lt3A_289 : i32
        %ne3A_291 = arith.xori %lt3A_288, %lt3A_290 : i1
        %and3A_292 = arith.andi %ne3A_291, %ne3A_286 : i1
        %add3A_293 = arith.addi %rem3A_284, %select_n3A_283 : i32
        %select_n3A_294 = arith.select %and3A_292, %add3A_293, %rem3A_284 : i32
        %dma_start3A_295 = arith.constant 0 : i32
        %dma_start3A_296 = tpu.memref_slice %arg6[%select_n3A_294, %dma_start3A_295] : memref<2x4096xi32, #tpu.memory_space<vmem>> -> memref<1x4096xi32, #tpu.memory_space<vmem>>
        %dma_start3A_297 = tpu.memref_squeeze %dma_start3A_296 : memref<1x4096xi32, #tpu.memory_space<vmem>> -> memref<4096xi32, #tpu.memory_space<vmem>>
        %dma_start3A_298 = arith.constant 0 : i32
        %dma_start3A_299 = tpu.memref_slice %arg3[%add3A_276, %dma_start3A_298] : memref<20x4096xi32, #tpu.memory_space<hbm>> -> memref<1x4096xi32, #tpu.memory_space<hbm>>
        %dma_start3A_300 = tpu.memref_squeeze %dma_start3A_299 : memref<1x4096xi32, #tpu.memory_space<hbm>> -> memref<4096xi32, #tpu.memory_space<hbm>>
        %dma_start3A_301 = arith.constant 0 : i32
        %dma_start3A_302 = tpu.memref_slice %arg6[%select_n3A_294, %dma_start3A_301] : memref<2x4096xi32, #tpu.memory_space<vmem>> -> memref<1x4096xi32, #tpu.memory_space<vmem>>
        %dma_start3A_303 = tpu.memref_squeeze %dma_start3A_302 : memref<1x4096xi32, #tpu.memory_space<vmem>> -> memref<4096xi32, #tpu.memory_space<vmem>>
        %dma_start3A_304 = arith.constant 0 : i32
        %dma_start3A_305 = tpu.memref_slice %arg3[%add3A_276, %dma_start3A_304] : memref<20x4096xi32, #tpu.memory_space<hbm>> -> memref<1x4096xi32, #tpu.memory_space<hbm>>
        %dma_start3A_306 = tpu.memref_squeeze %dma_start3A_305 : memref<1x4096xi32, #tpu.memory_space<hbm>> -> memref<4096xi32, #tpu.memory_space<hbm>>
        tpu.enqueue_dma source(%dma_start3A_306 : memref<4096xi32, #tpu.memory_space<hbm>>) target(%dma_start3A_303 : memref<4096xi32, #tpu.memory_space<vmem>>) target_semaphore(%arg11 : memref<!tpu.dma_semaphore, #tpu.memory_space<semaphore_mem>>)
      } else {
      }
      %gt3A_255 = arith.constant 0 : i32
      %gt3A_256 = arith.cmpi sgt, %while3A_88, %gt3A_255 : i32
      %convert_element_type3A_257 = arith.extui %gt3A_256 : i1 to i32
      %cond3A_258 = arith.constant 0 : i32
      %cond3A_259 = arith.cmpi ne, %convert_element_type3A_257, %cond3A_258 : i32
      scf.if %cond3A_259 {
        %dma_wait3A_275 = arith.constant 0 : i32
        %dma_wait3A_276 = arith.constant 0 : i32
        %dma_wait3A_277 = arith.constant 0 : i32
        %dma_wait3A_278 = arith.constant 0 : i32
        %dma_wait3A_279 = arith.constant 0 : i32
        %dma_wait3A_280 = tpu.memref_slice %arg4[%dma_wait3A_275, %dma_wait3A_276, %dma_wait3A_277, %dma_wait3A_278, %dma_wait3A_279] : memref<20x125x32x8x128xf32, #tpu.memory_space<hbm>> -> memref<1x1x32x8x128xf32, #tpu.memory_space<hbm>>
        %dma_wait3A_281 = tpu.memref_squeeze %dma_wait3A_280 : memref<1x1x32x8x128xf32, #tpu.memory_space<hbm>> -> memref<32x8x128xf32, #tpu.memory_space<hbm>>
        %dma_wait3A_282 = arith.constant 0 : i32
        %dma_wait3A_283 = arith.constant 0 : i32
        %dma_wait3A_284 = arith.constant 0 : i32
        %dma_wait3A_285 = tpu.memref_slice %arg4[%dma_wait3A_275, %dma_wait3A_276, %dma_wait3A_282, %dma_wait3A_283, %dma_wait3A_284] : memref<20x125x32x8x128xf32, #tpu.memory_space<hbm>> -> memref<1x1x32x8x128xf32, #tpu.memory_space<hbm>>
        %dma_wait3A_286 = tpu.memref_squeeze %dma_wait3A_285 : memref<1x1x32x8x128xf32, #tpu.memory_space<hbm>> -> memref<32x8x128xf32, #tpu.memory_space<hbm>>
        tpu.wait_dma2 semaphore(%arg10 : memref<!tpu.dma_semaphore, #tpu.memory_space<semaphore_mem>>) src(%arg8 : memref<32x8x128xf32, #tpu.memory_space<vmem>>) dst(%dma_wait3A_286 : memref<32x8x128xf32, #tpu.memory_space<hbm>>)
      } else {
      }
      %broadcast_in_dim3A_260 = vector.broadcast %select_n3A_221 : i32 to vector<16xi32>
      %parallel_loop3A_261 = arith.constant 0 : i32
      %parallel_loop3A_262 = arith.constant 256 : i32
      %parallel_loop3A_263 = arith.constant 1 : i32
      scf.for %parallel_loop3A_275 = %parallel_loop3A_261 to %parallel_loop3A_262 step %parallel_loop3A_263  : i32 {
        %parallel_loop3A_276 = arith.constant 16 : i32
        %parallel_loop3A_277 = arith.muli %parallel_loop3A_275, %parallel_loop3A_276 : i32
        %parallel_loop3A_278 = arith.index_cast %select_n3A_237 : i32 to index
        %parallel_loop3A_279 = arith.index_cast %parallel_loop3A_277 : i32 to index
        %parallel_loop3A_280 = tpu.vector_load %arg6[%parallel_loop3A_278, %parallel_loop3A_279] {strides = array<i32>} : memref<2x4096xi32, #tpu.memory_space<vmem>>, vector<16xi32>,
        %parallel_loop3A_281 = arith.constant 8 : i32
        %parallel_loop3A_282 = arith.divsi %parallel_loop3A_275, %parallel_loop3A_281 : i32
        %parallel_loop3A_283 = arith.constant 0 : i32
        %parallel_loop3A_284 = arith.cmpi sgt, %parallel_loop3A_275, %parallel_loop3A_283 : i32
        %parallel_loop3A_285 = arith.extui %parallel_loop3A_284 : i1 to i32
        %parallel_loop3A_286 = arith.constant 0 : i32
        %parallel_loop3A_287 = arith.cmpi slt, %parallel_loop3A_275, %parallel_loop3A_286 : i32
        %parallel_loop3A_288 = arith.extui %parallel_loop3A_287 : i1 to i32
        %parallel_loop3A_289 = arith.subi %parallel_loop3A_285, %parallel_loop3A_288 : i32
        %parallel_loop3A_290 = arith.constant 0 : i32
        %parallel_loop3A_291 = arith.cmpi sgt, %parallel_loop3A_281, %parallel_loop3A_290 : i32
        %parallel_loop3A_292 = arith.extui %parallel_loop3A_291 : i1 to i32
        %parallel_loop3A_293 = arith.constant 0 : i32
        %parallel_loop3A_294 = arith.cmpi slt, %parallel_loop3A_281, %parallel_loop3A_293 : i32
        %parallel_loop3A_295 = arith.extui %parallel_loop3A_294 : i1 to i32
        %parallel_loop3A_296 = arith.subi %parallel_loop3A_292, %parallel_loop3A_295 : i32
        %parallel_loop3A_297 = arith.cmpi ne, %parallel_loop3A_289, %parallel_loop3A_296 : i32
        %parallel_loop3A_298 = arith.remsi %parallel_loop3A_275, %parallel_loop3A_281 : i32
        %parallel_loop3A_299 = arith.constant 0 : i32
        %parallel_loop3A_300 = arith.cmpi ne, %parallel_loop3A_298, %parallel_loop3A_299 : i32
        %parallel_loop3A_301 = arith.andi %parallel_loop3A_297, %parallel_loop3A_300 : i1
        %parallel_loop3A_302 = arith.constant 1 : i32
        %parallel_loop3A_303 = arith.subi %parallel_loop3A_282, %parallel_loop3A_302 : i32
        %parallel_loop3A_304 = arith.select %parallel_loop3A_301, %parallel_loop3A_303, %parallel_loop3A_282 : i32
        %parallel_loop3A_305 = arith.constant 8 : i32
        %parallel_loop3A_306 = arith.constant 0 : i32
        %parallel_loop3A_307 = arith.cmpi eq, %parallel_loop3A_305, %parallel_loop3A_306 : i32
        %parallel_loop3A_308 = arith.constant 1 : i32
        %parallel_loop3A_309 = arith.select %parallel_loop3A_307, %parallel_loop3A_308, %parallel_loop3A_305 : i32
        %parallel_loop3A_310 = arith.remsi %parallel_loop3A_275, %parallel_loop3A_309 : i32
        %parallel_loop3A_311 = arith.constant 0 : i32
        %parallel_loop3A_312 = arith.cmpi ne, %parallel_loop3A_310, %parallel_loop3A_311 : i32
        %parallel_loop3A_313 = arith.constant 0 : i32
        %parallel_loop3A_314 = arith.cmpi slt, %parallel_loop3A_310, %parallel_loop3A_313 : i32
        %parallel_loop3A_315 = arith.constant 0 : i32
        %parallel_loop3A_316 = arith.cmpi slt, %parallel_loop3A_309, %parallel_loop3A_315 : i32
        %parallel_loop3A_317 = arith.xori %parallel_loop3A_314, %parallel_loop3A_316 : i1
        %parallel_loop3A_318 = arith.andi %parallel_loop3A_317, %parallel_loop3A_312 : i1
        %parallel_loop3A_319 = arith.addi %parallel_loop3A_310, %parallel_loop3A_309 : i32
        %parallel_loop3A_320 = arith.select %parallel_loop3A_318, %parallel_loop3A_319, %parallel_loop3A_310 : i32
        %parallel_loop3A_321 = arith.constant 16 : i32
        %parallel_loop3A_322 = arith.muli %parallel_loop3A_320, %parallel_loop3A_321 : i32
        %parallel_loop3A_323 = tpu.vector_load_idx %arg5[%broadcast_in_dim3A_260, %broadcast_in_dim3A_22, %parallel_loop3A_280] : memref<4x8x1000xf32, #tpu.memory_space<vmem>>[vector<16xi32>, vector<16xi32>, vector<16xi32>], vector<16xf32>,
        %parallel_loop3A_324 = arith.constant 0 : i32
        %parallel_loop3A_325 = arith.index_cast %parallel_loop3A_304 : i32 to index
        %parallel_loop3A_326 = arith.index_cast %parallel_loop3A_324 : i32 to index
        %parallel_loop3A_327 = arith.index_cast %parallel_loop3A_322 : i32 to index
        %parallel_loop3A_328 = tpu.vector_load %arg8[%parallel_loop3A_325, %parallel_loop3A_326, %parallel_loop3A_327] {strides = array<i32>} : memref<32x8x128xf32, #tpu.memory_space<vmem>>, vector<16xf32>,
        tpu.vector_store %arg8[%parallel_loop3A_325, %parallel_loop3A_326, %parallel_loop3A_327], %parallel_loop3A_323 {strides = array<i32>} : memref<32x8x128xf32, #tpu.memory_space<vmem>>, vector<16xf32>,
        %parallel_loop3A_329 = tpu.vector_load_idx %arg5[%broadcast_in_dim3A_260, %broadcast_in_dim3A_24, %parallel_loop3A_280] : memref<4x8x1000xf32, #tpu.memory_space<vmem>>[vector<16xi32>, vector<16xi32>, vector<16xi32>], vector<16xf32>,
        %parallel_loop3A_330 = arith.constant 1 : i32
        %parallel_loop3A_331 = arith.index_cast %parallel_loop3A_304 : i32 to index
        %parallel_loop3A_332 = arith.index_cast %parallel_loop3A_330 : i32 to index
        %parallel_loop3A_333 = arith.index_cast %parallel_loop3A_322 : i32 to index
        %parallel_loop3A_334 = tpu.vector_load %arg8[%parallel_loop3A_331, %parallel_loop3A_332, %parallel_loop3A_333] {strides = array<i32>} : memref<32x8x128xf32, #tpu.memory_space<vmem>>, vector<16xf32>,
        tpu.vector_store %arg8[%parallel_loop3A_331, %parallel_loop3A_332, %parallel_loop3A_333], %parallel_loop3A_329 {strides = array<i32>} : memref<32x8x128xf32, #tpu.memory_space<vmem>>, vector<16xf32>,
        %parallel_loop3A_335 = tpu.vector_load_idx %arg5[%broadcast_in_dim3A_260, %broadcast_in_dim3A_26, %parallel_loop3A_280] : memref<4x8x1000xf32, #tpu.memory_space<vmem>>[vector<16xi32>, vector<16xi32>, vector<16xi32>], vector<16xf32>,
        %parallel_loop3A_336 = arith.constant 2 : i32
        %parallel_loop3A_337 = arith.index_cast %parallel_loop3A_304 : i32 to index
        %parallel_loop3A_338 = arith.index_cast %parallel_loop3A_336 : i32 to index
        %parallel_loop3A_339 = arith.index_cast %parallel_loop3A_322 : i32 to index
        %parallel_loop3A_340 = tpu.vector_load %arg8[%parallel_loop3A_337, %parallel_loop3A_338, %parallel_loop3A_339] {strides = array<i32>} : memref<32x8x128xf32, #tpu.memory_space<vmem>>, vector<16xf32>,
        tpu.vector_store %arg8[%parallel_loop3A_337, %parallel_loop3A_338, %parallel_loop3A_339], %parallel_loop3A_335 {strides = array<i32>} : memref<32x8x128xf32, #tpu.memory_space<vmem>>, vector<16xf32>,
        %parallel_loop3A_341 = tpu.vector_load_idx %arg5[%broadcast_in_dim3A_260, %broadcast_in_dim3A_28, %parallel_loop3A_280] : memref<4x8x1000xf32, #tpu.memory_space<vmem>>[vector<16xi32>, vector<16xi32>, vector<16xi32>], vector<16xf32>,
        %parallel_loop3A_342 = arith.constant 3 : i32
        %parallel_loop3A_343 = arith.index_cast %parallel_loop3A_304 : i32 to index
        %parallel_loop3A_344 = arith.index_cast %parallel_loop3A_342 : i32 to index
        %parallel_loop3A_345 = arith.index_cast %parallel_loop3A_322 : i32 to index
        %parallel_loop3A_346 = tpu.vector_load %arg8[%parallel_loop3A_343, %parallel_loop3A_344, %parallel_loop3A_345] {strides = array<i32>} : memref<32x8x128xf32, #tpu.memory_space<vmem>>, vector<16xf32>,
        tpu.vector_store %arg8[%parallel_loop3A_343, %parallel_loop3A_344, %parallel_loop3A_345], %parallel_loop3A_341 {strides = array<i32>} : memref<32x8x128xf32, #tpu.memory_space<vmem>>, vector<16xf32>,
        %parallel_loop3A_347 = tpu.vector_load_idx %arg5[%broadcast_in_dim3A_260, %broadcast_in_dim3A_30, %parallel_loop3A_280] : memref<4x8x1000xf32, #tpu.memory_space<vmem>>[vector<16xi32>, vector<16xi32>, vector<16xi32>], vector<16xf32>,
        %parallel_loop3A_348 = arith.constant 4 : i32
        %parallel_loop3A_349 = arith.index_cast %parallel_loop3A_304 : i32 to index
        %parallel_loop3A_350 = arith.index_cast %parallel_loop3A_348 : i32 to index
        %parallel_loop3A_351 = arith.index_cast %parallel_loop3A_322 : i32 to index
        %parallel_loop3A_352 = tpu.vector_load %arg8[%parallel_loop3A_349, %parallel_loop3A_350, %parallel_loop3A_351] {strides = array<i32>} : memref<32x8x128xf32, #tpu.memory_space<vmem>>, vector<16xf32>,
        tpu.vector_store %arg8[%parallel_loop3A_349, %parallel_loop3A_350, %parallel_loop3A_351], %parallel_loop3A_347 {strides = array<i32>} : memref<32x8x128xf32, #tpu.memory_space<vmem>>, vector<16xf32>,
        %parallel_loop3A_353 = tpu.vector_load_idx %arg5[%broadcast_in_dim3A_260, %broadcast_in_dim3A_32, %parallel_loop3A_280] : memref<4x8x1000xf32, #tpu.memory_space<vmem>>[vector<16xi32>, vector<16xi32>, vector<16xi32>], vector<16xf32>,
        %parallel_loop3A_354 = arith.constant 5 : i32
        %parallel_loop3A_355 = arith.index_cast %parallel_loop3A_304 : i32 to index
        %parallel_loop3A_356 = arith.index_cast %parallel_loop3A_354 : i32 to index
        %parallel_loop3A_357 = arith.index_cast %parallel_loop3A_322 : i32 to index
        %parallel_loop3A_358 = tpu.vector_load %arg8[%parallel_loop3A_355, %parallel_loop3A_356, %parallel_loop3A_357] {strides = array<i32>} : memref<32x8x128xf32, #tpu.memory_space<vmem>>, vector<16xf32>,
        tpu.vector_store %arg8[%parallel_loop3A_355, %parallel_loop3A_356, %parallel_loop3A_357], %parallel_loop3A_353 {strides = array<i32>} : memref<32x8x128xf32, #tpu.memory_space<vmem>>, vector<16xf32>,
        %parallel_loop3A_359 = tpu.vector_load_idx %arg5[%broadcast_in_dim3A_260, %broadcast_in_dim3A_34, %parallel_loop3A_280] : memref<4x8x1000xf32, #tpu.memory_space<vmem>>[vector<16xi32>, vector<16xi32>, vector<16xi32>], vector<16xf32>,
        %parallel_loop3A_360 = arith.constant 6 : i32
        %parallel_loop3A_361 = arith.index_cast %parallel_loop3A_304 : i32 to index
        %parallel_loop3A_362 = arith.index_cast %parallel_loop3A_360 : i32 to index
        %parallel_loop3A_363 = arith.index_cast %parallel_loop3A_322 : i32 to index
        %parallel_loop3A_364 = tpu.vector_load %arg8[%parallel_loop3A_361, %parallel_loop3A_362, %parallel_loop3A_363] {strides = array<i32>} : memref<32x8x128xf32, #tpu.memory_space<vmem>>, vector<16xf32>,
        tpu.vector_store %arg8[%parallel_loop3A_361, %parallel_loop3A_362, %parallel_loop3A_363], %parallel_loop3A_359 {strides = array<i32>} : memref<32x8x128xf32, #tpu.memory_space<vmem>>, vector<16xf32>,
        %parallel_loop3A_365 = tpu.vector_load_idx %arg5[%broadcast_in_dim3A_260, %broadcast_in_dim3A_36, %parallel_loop3A_280] : memref<4x8x1000xf32, #tpu.memory_space<vmem>>[vector<16xi32>, vector<16xi32>, vector<16xi32>], vector<16xf32>,
        %parallel_loop3A_366 = arith.constant 7 : i32
        %parallel_loop3A_367 = arith.index_cast %parallel_loop3A_304 : i32 to index
        %parallel_loop3A_368 = arith.index_cast %parallel_loop3A_366 : i32 to index
        %parallel_loop3A_369 = arith.index_cast %parallel_loop3A_322 : i32 to index
        %parallel_loop3A_370 = tpu.vector_load %arg8[%parallel_loop3A_367, %parallel_loop3A_368, %parallel_loop3A_369] {strides = array<i32>} : memref<32x8x128xf32, #tpu.memory_space<vmem>>, vector<16xf32>,
        tpu.vector_store %arg8[%parallel_loop3A_367, %parallel_loop3A_368, %parallel_loop3A_369], %parallel_loop3A_365 {strides = array<i32>} : memref<32x8x128xf32, #tpu.memory_space<vmem>>, vector<16xf32>,
      } {sc.loop_unroll_factor = 4 : i64, sc.parallel_access}
      %add3A_264 = arith.addi %mul3A_2, %select_n3A_221 : i32
      %dma_start3A_265 = arith.constant 0 : i32
      %dma_start3A_266 = arith.constant 0 : i32
      %dma_start3A_267 = arith.constant 0 : i32
      %dma_start3A_268 = tpu.memref_slice %arg4[%select_n3A_206, %add3A_264, %dma_start3A_265, %dma_start3A_266, %dma_start3A_267] : memref<20x125x32x8x128xf32, #tpu.memory_space<hbm>> -> memref<1x1x32x8x128xf32, #tpu.memory_space<hbm>>
      %dma_start3A_269 = tpu.memref_squeeze %dma_start3A_268 : memref<1x1x32x8x128xf32, #tpu.memory_space<hbm>> -> memref<32x8x128xf32, #tpu.memory_space<hbm>>
      %dma_start3A_270 = arith.constant 0 : i32
      %dma_start3A_271 = arith.constant 0 : i32
      %dma_start3A_272 = arith.constant 0 : i32
      %dma_start3A_273 = tpu.memref_slice %arg4[%select_n3A_206, %add3A_264, %dma_start3A_270, %dma_start3A_271, %dma_start3A_272] : memref<20x125x32x8x128xf32, #tpu.memory_space<hbm>> -> memref<1x1x32x8x128xf32, #tpu.memory_space<hbm>>
      %dma_start3A_274 = tpu.memref_squeeze %dma_start3A_273 : memref<1x1x32x8x128xf32, #tpu.memory_space<hbm>> -> memref<32x8x128xf32, #tpu.memory_space<hbm>>
      tpu.enqueue_dma source(%arg8 : memref<32x8x128xf32, #tpu.memory_space<vmem>>) target(%dma_start3A_274 : memref<32x8x128xf32, #tpu.memory_space<hbm>>) target_semaphore(%arg10 : memref<!tpu.dma_semaphore, #tpu.memory_space<semaphore_mem>>)
    }
    %dma_wait3A = arith.constant 0 : i32
    %dma_wait3A_65 = arith.constant 0 : i32
    %dma_wait3A_66 = arith.constant 0 : i32
    %dma_wait3A_67 = arith.constant 0 : i32
    %dma_wait3A_68 = arith.constant 0 : i32
    %dma_wait3A_69 = tpu.memref_slice %arg4[%dma_wait3A, %dma_wait3A_65, %dma_wait3A_66, %dma_wait3A_67, %dma_wait3A_68] : memref<20x125x32x8x128xf32, #tpu.memory_space<hbm>> -> memref<1x1x32x8x128xf32, #tpu.memory_space<hbm>>
    %dma_wait3A_70 = tpu.memref_squeeze %dma_wait3A_69 : memref<1x1x32x8x128xf32, #tpu.memory_space<hbm>> -> memref<32x8x128xf32, #tpu.memory_space<hbm>>
    %dma_wait3A_71 = arith.constant 0 : i32
    %dma_wait3A_72 = arith.constant 0 : i32
    %dma_wait3A_73 = arith.constant 0 : i32
    %dma_wait3A_74 = tpu.memref_slice %arg4[%dma_wait3A, %dma_wait3A_65, %dma_wait3A_71, %dma_wait3A_72, %dma_wait3A_73] : memref<20x125x32x8x128xf32, #tpu.memory_space<hbm>> -> memref<1x1x32x8x128xf32, #tpu.memory_space<hbm>>
    %dma_wait3A_75 = tpu.memref_squeeze %dma_wait3A_74 : memref<1x1x32x8x128xf32, #tpu.memory_space<hbm>> -> memref<32x8x128xf32, #tpu.memory_space<hbm>>
    tpu.wait_dma2 semaphore(%arg9 : memref<!tpu.dma_semaphore, #tpu.memory_space<semaphore_mem>>) src(%arg7 : memref<32x8x128xf32, #tpu.memory_space<vmem>>) dst(%dma_wait3A_75 : memref<32x8x128xf32, #tpu.memory_space<hbm>>)
    %dma_wait3A_76 = arith.constant 0 : i32
    %dma_wait3A_77 = arith.constant 0 : i32
    %dma_wait3A_78 = arith.constant 0 : i32
    %dma_wait3A_79 = arith.constant 0 : i32
    %dma_wait3A_80 = arith.constant 0 : i32
    %dma_wait3A_81 = tpu.memref_slice %arg4[%dma_wait3A_76, %dma_wait3A_77, %dma_wait3A_78, %dma_wait3A_79, %dma_wait3A_80] : memref<20x125x32x8x128xf32, #tpu.memory_space<hbm>> -> memref<1x1x32x8x128xf32, #tpu.memory_space<hbm>>
    %dma_wait3A_82 = tpu.memref_squeeze %dma_wait3A_81 : memref<1x1x32x8x128xf32, #tpu.memory_space<hbm>> -> memref<32x8x128xf32, #tpu.memory_space<hbm>>
    %dma_wait3A_83 = arith.constant 0 : i32
    %dma_wait3A_84 = arith.constant 0 : i32
    %dma_wait3A_85 = arith.constant 0 : i32
    %dma_wait3A_86 = tpu.memref_slice %arg4[%dma_wait3A_76, %dma_wait3A_77, %dma_wait3A_83, %dma_wait3A_84, %dma_wait3A_85] : memref<20x125x32x8x128xf32, #tpu.memory_space<hbm>> -> memref<1x1x32x8x128xf32, #tpu.memory_space<hbm>>
    %dma_wait3A_87 = tpu.memref_squeeze %dma_wait3A_86 : memref<1x1x32x8x128xf32, #tpu.memory_space<hbm>> -> memref<32x8x128xf32, #tpu.memory_space<hbm>>
    tpu.wait_dma2 semaphore(%arg10 : memref<!tpu.dma_semaphore, #tpu.memory_space<semaphore_mem>>) src(%arg8 : memref<32x8x128xf32, #tpu.memory_space<vmem>>) dst(%dma_wait3A_87 : memref<32x8x128xf32, #tpu.memory_space<hbm>>)
    return
  }
}

</mosaic_0001>

<sc_bundles>
// kernel: kernel.3.cloned.1.call-start
scs
__scs_entry_jumppad:
0x0: {  	(pc) =	sbr.rel $0x88, $3  }
0x1: {  	(tag) =	ssettag $0x0;
	lr =	simm.s32 $0x1  }
0x2: {  	[smem:$0x3F9F] =	sst lr;
	_ =	strace $0xD0000000  }
0x3: {  	_ = 	snop  }
0x4: {  	_ = 	snop  }
0x5: {  	_ = 	snop  }
0x6: {  	_ = 	snop  }
0x7: {  	_ = 	snop  }
__scs_overlays_trampoline_lowered:
0x8: {  	[smem:$0x3FAE] =	sst s0  }
0x9: {  	[smem:$0x3FAF] =	sst s1  }
0xa: {  	[smem:$0x3FB0] =	sst s2  }
0xb: {  	[smem:$0x3FB1] =	sst s3  }
0xc: {  	[smem:$0x3FB2] =	sst s4  }
0xd: {  	[smem:$0x3FB3] =	sst s5  }
0xe: {  	[smem:$0x3FB4] =	sst s6  }
0xf: {  	[smem:$0x3FB5] =	sst s7  }
0x10: {  	[smem:$0x3FB6] =	sst s8  }
0x11: {  	[smem:$0x3FB7] =	sst s9;
	s0 =	simm.s32 @!p0 $0x0  }
0x12: {  	s1 =	sld [smem:$0x3F9D];
	s0 =	simm.s32 @p0 $0x1  }
0x13: {  	[smem:$0x3FB8] =	sst s0;
	s0 =	simm.s32 @!p1 $0x0  }
0x14: {  	s2 =	sld [smem:$0x3F9C];
	s0 =	simm.s32 @p1 $0x1  }
0x15: {  	[smem:$0x3FB9] =	sst s0;
	s0 =	simm.s32 @!p2 $0x0  }
0x16: {  	s3 =	sld [smem:$0x3FDB];
	s0 =	simm.s32 @p2 $0x1  }
0x17: {  	s4 =	simm.s32 $0x1BF5;
	[smem:$0x3FBB] =	sst s0  }
0x18: {  	s0 =	sld [smem:$0x3F9E];
	_ =	swait.ge [sflag:s4], $0x0  }
0x19: {  	s7 =	sld [smem:$0x3F9F]  }
0x1a: {  	s8 =	sadd.s32 $0xFFFFE003, lr  }
0x1b: {  	s9 =	sadd.s32 $0xFFFFFEF7, lr;
	s5 =	simm.s32 $0xFFFFFFFF;
	p2 =	slt.u32 s8, $0xFFFFF086  }
0x1c: {  	p1 =	slt.u32 s9, $0xF7A;
	s5 =	simm.s32 @!p2 $0x0  }
0x1d: {  	s5 =	simm.s32 @p1 $0x1;
	p0 =	seq.s32 s7, s2  }
0x1e: {  	s7 =	smul.u32 @!p0 $0xF7A, s2;
	p2 =	seq.s32 @!p0 s5, $0x0  }
0x1f: {  	s9 =	smul.u32 $0xF7A, s1;
	s8 =	simm.s32 @!p0 $0x1BF5;
	p2 =	por !p2, p0  }
0x20: {  	[sflag:s8] =	ssyncset.s32 @!p0 $0xFFFFF086;
	s6 =	sadd.s32 @!p0 s3, s7;
	s7 =	simm.s32 @!p0 $0x108  }
0x21: {  	s3 =	sadd.s32 s3, s9;
	s6 =	sadd.s32 @!p0 $0x88, s6;
	s7 =	simm.s32 @p2 $0x1082  }
0x22: {  	[simem:s7], [sflag:s8] =	dma.local @!p0 [hbm:s6], $0xF7A  }
0x23: {  	s9 =	sor.u32 $0xD0000000, s2;
	s6 =	simm.s32 $0x108;
	_ =	swait.ge @!p0 [sflag:s8], $0x0  }
0x24: {  	s3 =	sadd.s32 $0x88, s3;
	s6 =	simm.s32 @!p1 $0x1082;
	[sflag:s4] =	ssyncset.s32 $0xFFFFF086  }
0x25: {  	[simem:s6], [sflag:s4] =	dma.local [hbm:s3], $0xF7A  }
0x26: {  	[smem:$0x3F9F] =	sst s1;
	(tag) =	ssettag s2;
	_ =	strace s9  }
0x27: {  	s1 =	sld [smem:$0x3FAF]  }
0x28: {  	s2 =	sld [smem:$0x3FB0]  }
0x29: {  	s4 =	sld [smem:$0x3FB2]  }
0x2a: {  	p0 =	seq.s32 s5, $0x0;
	s5 =	sld [smem:$0x3FB3]  }
0x2b: {  	s6 =	sld [smem:$0x3FB4]  }
0x2c: {  	s7 =	sld [smem:$0x3FB5]  }
0x2d: {  	s3 =	simm.s32 $0x108;
	s8 =	sld [smem:$0x3FB6]  }
0x2e: {  	s3 =	simm.s32 @!p0 $0x1082;
	s9 =	sld [smem:$0x3FB7]  }
0x2f: {  	lr =	sadd.s32 s0, s3;
	s0 =	sld [smem:$0x3FAE]  }
0x30: {  	s3 =	sld [smem:$0x3FB1]  }
0x31: {  	[smem:$0x3FBA] =	sst s10  }
0x32: {  	s10 =	sld [smem:$0x3FB8];
	_ =	sdelay $0x3  }
0x33: {  	p0 =	seq.s32 s10, $0x1;
	s10 =	sld [smem:$0x3FBA];
	_ =	sdelay $0x3  }
0x34: {  	[smem:$0x3FBA] =	sst s10  }
0x35: {  	s10 =	sld [smem:$0x3FB9];
	_ =	sdelay $0x3  }
0x36: {  	p1 =	seq.s32 s10, $0x1;
	s10 =	sld [smem:$0x3FBA];
	_ =	sdelay $0x3  }
0x37: {  	[smem:$0x3FBA] =	sst s10  }
0x38: {  	s10 =	sld [smem:$0x3FBB]  }
0x39: {  	_ = 	snop;
	(pc) =	sbr.ind lr, $3  }
0x3a: {  	_ = 	snop  }
0x3b: {  	_ = 	snop  }
0x3c: {  	p2 =	seq.s32 s10, $0x1;
	s10 =	sld [smem:$0x3FBA]  }
0x3d: {  	_ =	shalt  }
0x3e: {  	_ =	shalt  }
0x3f: {  	_ =	shalt  }
0x40: {  	_ =	shalt  }
0x41: {  	_ =	shalt  }
0x42: {  	_ =	shalt  }
0x43: {  	_ =	shalt  }
0x44: {  	_ =	shalt  }
0x45: {  	_ =	shalt  }
0x46: {  	_ =	shalt  }
0x47: {  	_ =	shalt  }
0x48: {  	_ =	shalt  }
0x49: {  	_ =	shalt  }
0x4a: {  	_ =	shalt  }
0x4b: {  	_ =	shalt  }
0x4c: {  	_ =	shalt  }
0x4d: {  	_ =	shalt  }
0x4e: {  	_ =	shalt  }
0x4f: {  	_ =	shalt  }
0x50: {  	_ =	shalt  }
0x51: {  	_ =	shalt  }
0x52: {  	_ =	shalt  }
0x53: {  	_ =	shalt  }
0x54: {  	_ =	shalt  }
0x55: {  	_ =	shalt  }
0x56: {  	_ =	shalt  }
0x57: {  	_ =	shalt  }
0x58: {  	_ =	shalt  }
0x59: {  	_ =	shalt  }
0x5a: {  	_ =	shalt  }
0x5b: {  	_ =	shalt  }
0x5c: {  	_ =	shalt  }
0x5d: {  	_ =	shalt  }
0x5e: {  	_ =	shalt  }
0x5f: {  	_ =	shalt  }
0x60: {  	_ =	shalt  }
0x61: {  	_ =	shalt  }
0x62: {  	_ =	shalt  }
0x63: {  	_ =	shalt  }
0x64: {  	_ =	shalt  }
0x65: {  	_ =	shalt  }
0x66: {  	_ =	shalt  }
0x67: {  	_ =	shalt  }
0x68: {  	_ =	shalt  }
0x69: {  	_ =	shalt  }
0x6a: {  	_ =	shalt  }
0x6b: {  	_ =	shalt  }
0x6c: {  	_ =	shalt  }
0x6d: {  	_ =	shalt  }
0x6e: {  	_ =	shalt  }
0x6f: {  	_ =	shalt  }
0x70: {  	_ =	shalt  }
0x71: {  	_ =	shalt  }
0x72: {  	_ =	shalt  }
0x73: {  	_ =	shalt  }
0x74: {  	_ =	shalt  }
0x75: {  	_ =	shalt  }
0x76: {  	_ =	shalt  }
0x77: {  	_ =	shalt  }
0x78: {  	_ =	shalt  }
0x79: {  	_ =	shalt  }
0x7a: {  	_ =	shalt  }
0x7b: {  	_ =	shalt  }
0x7c: {  	_ =	shalt  }
0x7d: {  	_ =	shalt  }
0x7e: {  	_ =	shalt  }
0x7f: {  	_ =	shalt  }
0x80: {  	_ =	shalt  }
0x81: {  	_ =	shalt  }
0x82: {  	_ =	shalt  }
0x83: {  	_ =	shalt  }
0x84: {  	_ =	shalt  }
0x85: {  	_ =	shalt  }
0x86: {  	_ =	shalt  }
0x87: {  	_ =	shalt  }
.Lfunc_end0:
.L_simem_size_0:
called_computation_lowered:
.L_overlay_start_0:
0x88: {  	s2 =	sld [smem:$0x3FD9]  }
0x89: {  	s3 =	sld [smem:$0x3FFE];
	_ =	sdelay $0x1  }
0x8a: {  	s1 =	srdreg.scid  }
0x8b: {  	s0 =	sand.u32 $0x1, s1  }
0x8c: {  	s17 =	sshll.u32 s0, $0xA;
	s2 =	sadd.s32 s3, s2  }
0x8d: {  	s2 =	sadd.s32 s2, s17  }
0x8e: {  	[smem:$0x3FC6] =	sst s2  }
0x8f: {  	_ = 	snop  }
0x90: {  	s2 =	sld [smem:$0x3FD0];
	(tm) =	ssettm $0x1  }
0x91: {  	s18 =	sld [smem:$0x3FFB];
	_ =	sdelay $0x3  }
0x92: {  	_ =	strace s18  }
0x93: {  	s3 =	sld [smem:$0x3FFC];
	_ =	sdelay $0x3  }
0x94: {  	_ =	strace s3  }
0x95: {  	s3 =	sld [smem:$0x3FFD];
	_ =	sdelay $0x3  }
0x96: {  	_ =	strace s3  }
0x97: {  	_ =	strace $0x8FFFFFFF  }
0x98: {  	s19 =	sld [smem:$0x3FDB];
	_ =	sdelay $0x1  }
0x99: {  	s4 =	simm.s32 $_scs_section_size  }
0x9a: {  	s5 =	simm.s32 $_size__tile_overlayer_lowered;
	s6 =	simm.s32 $_tile_overlayer_lowered  }
0x9b: {  	s22 =	simm.s32 $0x1BFF;
	s21 =	sshll.u32 s6, $0x1;
	s3 =	sadd.s32 s4, s19  }
0x9c: {  	s7 =	simm.s32 $0x0;
	s20 =	sshll.u32 s5, $0x1;
	s5 =	sadd.s32 s21, s3  }
0x9d: {  	[timem:s7], [sflag:s22] =	dma.local [hbm:s5], s20  }
0x9e: {  	_ =	swait.ge [sflag:s22], s20  }
0x9f: {  	s4 =	ssub.s32 $0x0, s20;
	[sflag:s22] =	ssyncset.done $0x0  }
0xa0: {  	[sflag:s22] =	ssyncadd.s32 s4;
	_ =	sdelay $0x1  }
0xa1: {  	s23 =	simm.s32 $0x1B8B  }
0xa2: {  	_ =	swait.ge [sflag:s23], $0x1  }
0xa3: {  	[sflag:s23] =	ssyncset.done $0x0  }
0xa4: {  	s25 =	simm.s32 $0x1B8E;
	s24 =	sld [smem:$0x3FFE];
	[sflag:s23] =	ssyncadd.s32 $0xFFFFFFFF  }
0xa5: {  	s26 =	simm.s32 $execute0_lowered;
	[smem:$0x3FD2] =	sst s25  }
0xa6: {  	s5 =	sshll.u32 s26, $0x1;
	_ =	strace $0x80000046;
	[dreg:$0x1] =	wrdreg $0xFFFFFFFF  }
0xa7: {  	s28 =	simm.s32 $_size_execute0_lowered;
	s3 =	sadd.s32 s3, s5;
	[dreg:$0x0] =	wrdreg $0x0  }
0xa8: {  	s5 =	sshll.u32 s28, $0x1;
	[dreg:$0x2] =	wrdreg s3  }
0xa9: {  	[dreg:$0x3] =	wrdreg s5  }
0xaa: {  	[dreg:$0x4] =	wrdreg $0xC0  }
0xab: {  	_ =	task [dreg:s7], $0x5FFFF  }
0xac: {  	[dreg:$0x1] =	wrdreg $0xFFFFFFFF  }
0xad: {  	[dreg:$0x0] =	wrdreg $0x60  }
0xae: {  	[dreg:$0x2] =	wrdreg s24  }
0xaf: {  	[dreg:$0x3] =	wrdreg s2  }
0xb0: {  	[dreg:$0x4] =	wrdreg $0x9  }
0xb1: {  	_ =	task.clear_ibuf [dreg:s7], $0x5FFFF;
	_ =	strace $0x90000046  }
0xb2: {  	s29 =	simm.s32 $0x9;
	_ =	strace $0x80000048  }
0xb3: {  	_ =	swait.ge [sflag:s29], $0x1  }
0xb4: {  	[sflag:s29] =	ssyncadd.s32 $0xFFFFFFFF  }
0xb5: {  	_ =	strace $0x90000048  }
0xb6: {  	_ =	sfence  }
0xb7: {  	s30 =	sld [smem:$0x0];
	_ =	sdelay $0x2  }
0xb8: {  	s31 =	sshll.u32 s1, $0xD;
	s1 =	sshrl.u32 s1, $0x2  }
0xb9: {  	s3 =	sand.u32 $0x4000, s31;
	s1 =	sadd.s32 s1, s30  }
0xba: {  	s0 =	sor.u32 s3, s0;
	s1 =	sshll.u32 s1, $0x11  }
0xbb: {  	s0 =	sor.u32 s1, s0  }
0xbc: {  	s0 =	sadd.s32 $0x8F2B, s0  }
0xbd: {  	[sflag:s0] =	ssyncadd.remote.s32 $0x1  }
0xbe: {  	_ =	sfence.sel $0xFFFF  }
0xbf: {  	[dreg:$0x0] =	wrdreg $0xFFFFFFFF;
	(pc) =	sbr.abs _section_cstart, $3  }
0xc0: {  	[dreg:$0x1] =	wrdreg $0xFFFFFFFF  }
0xc1: {  	_ =	task.clear_ibuf [dreg:s7], $0x2FFFF;
	_ =	strace $0x9FFFFFFF  }
0xc2: {  	(tm) =	ssettm $0x7FFFFFFF  }
0xc3: {  	_ =	shalt  }
tec
execute0_lowered:
.L_overlay_start_1:
0x0: {  	(tag) =	ssettag $0x1  }
0x1: {  	s0 =	rddreg [dreg:$0x0]  }
0x2: {  	s1 =	rddreg [dreg:$0x1];
	s3 =	simm.s32 $0x0  }
0x3: {  	s2 =	srdreg.scid;
	s11 =	stileid.u32;
	s18 =	simm.s32 $0x11D00  }
0x4: {  	[smem:$0x7FF] =	sst s3;
	s2 =	sand.u32 $0x1, s2;
	s4 =	sshll.u32 s11, $0x1  }
0x5: {  	s7 =	sadd.s32 $0x2C00, s0;
	s11 =	sshll.u32 s11, $0x3;
	_ =	strace $0x80000047  }
0x6: {  	s6 =	ssub.s32 $0x2, s2;
	s8 =	sor.u32 s2, s4;
	s4 =	sadd.s32 $0x400, s0  }
0x7: {  	s2 =	sshll.u32 s2, $0x2;
	s29 =	sshrl.u32 s6, $0x1;
	s9 =	smul.u32 $0x7D00, s8  }
0x8: {  	s5 =	sshll.u32 s8, $0x2;
	s10 =	smul.u32 $0xFA0, s8;
	s2 =	sor.u32 s11, s2  }
0x9: {  	p0 =	seq.s32 s8, $0x1F;
	s0 =	ssub.s32 s6, s29;
	s30 =	sxor.u32 $0x7D, s5  }
0xa: {  	s2 =	sxor.u32 $0x7D, s2;
	s9 =	sshrl.u32 s9, $0x3;
	s10 =	sadd.s32 s7, s10  }
0xb: {  	s0 =	smax.u32 s0, $0x1;
	[dreg:$0x3] =	wrdreg s10;
	s7 =	sadd.s32 s7, s9  }
0xc: {  	s6 =	smin.u32 s30, $0x4;
	[dreg:$0x7] =	wrdreg s0;
	s9 =	sadd.s32 $0x3E8, s7  }
0xd: {  	s2 =	smin.u32 s2, $0x4;
	s31 =	sadd.s32 $0x7D0, s7;
	[dreg:$0x4] =	wrdreg s9  }
0xe: {  	s11 =	sadd.s32 $0xFFFFFFFF, s6;
	s7 =	sadd.s32 $0xBB8, s7;
	[dreg:$0x5] =	wrdreg s31  }
0xf: {  	s12 =	smul.u32 $0xA, s2;
	[dreg:$0x6] =	wrdreg s7;
	s7 =	simm.s32 $0x0  }
.LBB2_1:
0x10: {  	[dreg:$0x8] =	wrdreg s7  }
0x11: {  	s0 =	rddreg [dreg:$0x3];
	s9 =	simm.s32 $0x4  }
0x12: {  	[tilespmem:s3], [sflag:$0x4] =	stream.linear.gather [hbm4b:s0+s3], $0x1F40, $0x38;
	[tilespmem:$0x19D00] =	vst v63  }
0x13: {  	_ =	swait.ge [sflag:s9], $0x1F40  }
0x14: {  	s2 =	simm.s32 @!p0 $0x1F40;
	[sflag:s9] =	ssyncset.done $0x0  }
0x15: {  	s0 =	simm.s32 @!p0 $0x0;
	s7 =	rddreg [dreg:$0x4];
	[sflag:s9] =	ssyncadd.s32 $0xFFFFE0C0  }
0x16: {  	[tilespmem:s2], [sflag:$0x4] =	stream.linear.gather @!p0 [hbm4b:s7+s0], $0x1F40, $0x38;
	[tilespmem:$0x19D00] =	vst v63  }
0x17: {  	s2 =	simm.s32 @!p0 $0x4  }
0x18: {  	_ =	swait.ge @!p0 [sflag:s2], $0x1F40  }
0x19: {  	[sflag:s2] =	ssyncset.done @!p0 $0x0  }
0x1a: {  	s7 =	simm.s32 @!p0 $0x3E80;
	s8 =	rddreg [dreg:$0x5];
	[sflag:s2] =	ssyncadd.s32 @!p0 $0xFFFFE0C0  }
0x1b: {  	[tilespmem:s7], [sflag:$0x4] =	stream.linear.gather @!p0 [hbm4b:s8+s0], $0x1F40, $0x38;
	[tilespmem:$0x19D00] =	vst v63  }
0x1c: {  	_ =	swait.ge @!p0 [sflag:s2], $0x1F40  }
0x1d: {  	[sflag:s2] =	ssyncset.done @!p0 $0x0  }
0x1e: {  	s7 =	simm.s32 @!p0 $0x5DC0;
	s8 =	rddreg [dreg:$0x6];
	[sflag:s2] =	ssyncadd.s32 @!p0 $0xFFFFE0C0  }
0x1f: {  	[tilespmem:s7], [sflag:$0x4] =	stream.linear.gather @!p0 [hbm4b:s8+s0], $0x1F40, $0x38;
	[tilespmem:$0x19D00] =	vst v63  }
0x20: {  	_ =	swait.ge @!p0 [sflag:s2], $0x1F40  }
0x21: {  	[sflag:s2] =	ssyncset.done @!p0 $0x0  }
0x22: {  	s31 =	simm.s32 $0x7D00;
	[sflag:s2] =	ssyncadd.s32 @!p0 $0xFFFFE0C0  }
0x23: {  	[tilespmem:s31], [sflag:$0x4] =	stream.linear.gather [hbm4b:s4+s3], $0x1000, $0x38;
	[tilespmem:$0x19D00] =	vst v63  }
0x24: {  	_ =	swait.ge [sflag:s9], $0x1000  }
0x25: {  	[sflag:s9] =	ssyncset.done $0x0  }
0x26: {  	s21 =	simm.s32 $0x0;
	[sflag:s9] =	ssyncadd.s32 $0xFFFFF000  }
.LBB2_2:
0x27: {  	s22 =	sshll.u32 s21, $0x1  }
0x28: {  	(drf) =	sdivrem.u32 s22, s6;
	_ =	sdelay $0x8  }
0x29: {  	s23 =	spop (drf)  }
0x2a: {  	s24 =	spop (drf)  }
0x2b: {  	p1 =	sne.s32 s24, $0x0  }
0x2c: {  	p3 =	sne.s32 s24, s11;
	p2 =	slt.s32 @!p1 s23, $0x1  }
0x2d: {  	p1 =	por p2, p1;
	p2 =	sgt.s32 @!p3 s23, $0x12  }
0x2e: {  	p2 =	por p2, p3;
	s0 =	simm.s32 @!p1 $0x3  }
0x2f: {  	s20 =	sshll.u32 s23, $0xC;
	_ =	swait.ge @!p1 [sflag:s0], $0x1000;
	s2 =	sadd.s32 @!p2 $0x1, s23  }
0x30: {  	[sflag:s0] =	ssyncset.done @!p1 $0x0;
	s7 =	sshll.u32 @!p2 s2, $0xC;
	s2 =	sshll.u32 @!p2 s2, $0x9  }
0x31: {  	[sflag:s0] =	ssyncadd.s32 @!p1 $0xFFFFF000;
	s0 =	sand.u32 @!p2 $0x1000, s7;
	s2 =	sand.u32 @!p2 $0x1FFFFE00, s2  }
0x32: {  	s7 =	simm.s32 @!p2 $0x0;
	s0 =	sadd.s32 @!p2 $0x7D00, s0;
	s2 =	sadd.s32 @!p2 s4, s2  }
0x33: {  	[tilespmem:s0], [sflag:$0x3] =	stream.linear.gather @!p2 [hbm4b:s2+s7], $0x1000, $0x38;
	[tilespmem:$0x19D00] =	vst v63  }
0x34: {  	s0 =	sand.u32 $0x1000, s20  }
0x35: {  	s0 =	sadd.s32 $0x7D00, s0  }
0x36: {  	p1 =	seq.s32 s21, $0x0;
	v4 =	vmov s0  }
0x37: {  	s0 =	simm.s32 @!p1 $0x1  }
0x38: {  	s25 =	simm.s32 $0x0;
	_ =	swait.ge @!p1 [sflag:s0], $0x8000  }
0x39: {  	s26 =	sor.u32 $0x20, s25;
	[sflag:s0] =	ssyncset.done @!p1 $0x0  }
0x3a: {  	s7 =	sand.u32 $0x3FFFFFF0, s26;
	[sflag:s0] =	ssyncadd.s32 @!p1 $0xFFFF8000  }
0x3b: {  	v0 =	vld.idx.msk [tilespmem:v4+s7+$0x0 ss:$0x1], $0xffff  }
0x3c: {  	s8 =	sor.u32 $0x30, s25;
	v1 =	vmov s24  }
0x3d: {  	v1 =	vmul.u32 $0x1F40, v1;
	s0 =	sand.u32 $0x3FFFFFF0, s8  }
0x3e: {  	v2 =	vld.idx.msk [tilespmem:v4+s0+$0x0 ss:$0x1], $0xffff  }
0x3f: {  	v9 =	vbroadcast v1, $0x0  }
0x40: {  	s9 =	sor.u32 $0x10, s25;
	v18 =	vand.u32 $0xFFFFFFF8, v0  }
0x41: {  	s0 =	sand.u32 $0x3FFFFFF0, s9;
	v17 =	vand.u32 $0x7, v0;
	v1 =	vadd.s32 v9, v18  }
0x42: {  	v0 =	vld.idx.msk [tilespmem:v4+s0+$0x0 ss:$0x1], $0xffff;
	v1 =	vor.u32 v17, v1  }
0x43: {  	v21 =	vand.u32 $0xFFFFFFF8, v2  }
0x44: {  	v19 =	vand.u32 $0x7, v2;
	v3 =	vadd.s32 v9, v21  }
0x45: {  	s10 =	sand.u32 $0x3FFFFFF0, s25;
	v3 =	vor.u32 v19, v3  }
0x46: {  	v11 =	vadd.s32 $0x3E8, v9;
	v2 =	vld.idx.msk [tilespmem:v4+s10+$0x0 ss:$0x1], $0xffff  }
0x47: {  	v5 =	vadd.s32 v11, v18;
	v23 =	vand.u32 $0xFFFFFFF8, v0;
	v1 =	vld.idx.msk [tilespmem:v1+s3+$0x0], $0xffff  }
0x48: {  	s13 =	simm.s32 $0x0;
	v22 =	vand.u32 $0x7, v0;
	v0 =	vor.u32 v17, v5;
	v6 =	vadd.s32 v9, v23  }
0x49: {  	s14 =	simm.s32 $0x20;
	s0 =	sand.u32 $0x7C00, s13;
	v5 =	vor.u32 v22, v6  }
0x4a: {  	s16 =	simm.s32 $0x40;
	s2 =	sand.u32 $0x60, s14;
	s0 =	sadd.s32 $0x9D00, s0;
	v6 =	vadd.s32 v11, v21;
	v3 =	vld.idx.msk [tilespmem:v3+s3+$0x0], $0xffff  }
0x4b: {  	s17 =	sand.u32 $0x3FFFFFF0, s16;
	s2 =	sor.u32 s2, s0;
	v24 =	vand.u32 $0xFFFFFFF8, v2;
	v26 =	vand.u32 $0x7, v2;
	v2 =	vor.u32 v19, v6  }
0x4c: {  	s15 =	simm.s32 $0x30;
	v8 =	vadd.s32 $0x7D0, v9;
	v15 =	vld.idx.msk [tilespmem:v4+s17+$0x0 ss:$0x1], $0xffff;
	v7 =	vadd.s32 v9, v24;
	[tilespmem:s2+$0x0] =	vst v1  }
0x4d: {  	s7 =	sand.u32 $0x70, s15;
	s9 =	sor.u32 $0x20, s16;
	v6 =	vor.u32 v26, v7;
	v1 =	vadd.s32 v8, v18;
	v0 =	vld.idx.msk [tilespmem:v0+s3+$0x0], $0xffff  }
0x4e: {  	s9 =	sand.u32 $0x3FFFFFF0, s9;
	s28 =	sor.u32 s7, s0;
	v7 =	vadd.s32 v11, v23;
	v5 =	vld.idx.msk [tilespmem:v5+s3+$0x0], $0xffff;
	v1 =	vor.u32 v17, v1  }
0x4f: {  	s26 =	sor.u32 $0x10, s16;
	v13 =	vld.idx.msk [tilespmem:v4+s9+$0x0 ss:$0x1], $0xffff;
	s13 =	simm.s32 $0x80;
	[tilespmem:s28+$0x0] =	vst v3;
	v3 =	vor.u32 v22, v7  }
0x50: {  	s8 =	simm.s32 $0x10;
	s10 =	sor.u32 $0x30, s16;
	s16 =	sand.u32 $0x3FFFFFF0, s13;
	v7 =	vadd.s32 v8, v21;
	v2 =	vld.idx.msk [tilespmem:v2+s3+$0x0], $0xffff  }
0x51: {  	s8 =	sand.u32 $0x50, s8;
	v43 =	vld.idx.msk [tilespmem:v4+s16+$0x0 ss:$0x1], $0xffff;
	v10 =	vor.u32 v19, v7  }
0x52: {  	s19 =	simm.s32 $0x0;
	s29 =	sor.u32 s8, s0;
	v12 =	vadd.s32 v11, v24;
	v6 =	vld.idx.msk [tilespmem:v6+s3+$0x0], $0xffff;
	v7 =	vadd.s32 $0xBB8, v9;
	[tilespmem:s2+$0x80] =	vst v0  }
0x53: {  	s20 =	sand.u32 $0x40, s19;
	v12 =	vor.u32 v26, v12;
	[tilespmem:s29+$0x0] =	vst v5;
	v0 =	vadd.s32 v7, v18;
	v1 =	vld.idx.msk [tilespmem:v1+s3+$0x0], $0xffff  }
0x54: {  	s30 =	sor.u32 s20, s0;
	s0 =	sand.u32 $0x3FFFFFF0, s26;
	v14 =	vld.idx.msk [tilespmem:v3+s3+$0x0], $0xffff;
	v3 =	vadd.s32 v8, v23;
	v0 =	vor.u32 v17, v0  }
0x55: {  	v29 =	vld.idx.msk [tilespmem:v4+s0+$0x0 ss:$0x1], $0xffff;
	[tilespmem:s28+$0x80] =	vst v2;
	v16 =	vor.u32 v22, v3  }
0x56: {  	s25 =	sand.u32 $0x3FFFFFF0, s10;
	v20 =	vadd.s32 v8, v24;
	v2 =	vld.idx.msk [tilespmem:v10+s3+$0x0], $0xffff;
	v10 =	vadd.s32 v7, v21  }
0x57: {  	s7 =	simm.s32 $0x200;
	v20 =	vor.u32 v26, v20;
	[tilespmem:s30+$0x0] =	vst v6;
	v6 =	vld.idx.msk [tilespmem:v4+s25+$0x0 ss:$0x1], $0xffff;
	v25 =	vor.u32 v19, v10  }
0x58: {  	s8 =	simm.s32 $0x60;
	s0 =	sand.u32 $0x7C00, s7;
	v33 =	vadd.s32 v7, v24;
	v5 =	vadd.s32 $0xFA0, v9;
	v12 =	vld.idx.msk [tilespmem:v12+s3+$0x0], $0xffff;
	v10 =	vand.u32 $0xFFFFFFF8, v13;
	[tilespmem:s2+$0x100] =	vst v1  }
0x59: {  	s14 =	sor.u32 $0x10, s13;
	s7 =	sand.u32 $0x60, s8;
	s0 =	sadd.s32 $0x9D00, s0;
	v31 =	vadd.s32 v9, v10;
	[tilespmem:s29+$0x80] =	vst v14;
	v1 =	vadd.s32 v5, v18;
	v14 =	vld.idx.msk [tilespmem:v0+s3+$0x0], $0xffff  }
0x5a: {  	s26 =	sor.u32 s7, s0;
	s7 =	sand.u32 $0x3FFFFFF0, s14;
	v27 =	vld.idx.msk [tilespmem:v16+s3+$0x0], $0xffff;
	v16 =	vadd.s32 v7, v23;
	v0 =	vand.u32 $0xFFFFFFF8, v15;
	v28 =	vor.u32 v17, v1  }
0x5b: {  	v40 =	vld.idx.msk [tilespmem:v4+s7+$0x0 ss:$0x1], $0xffff;
	[tilespmem:s28+$0x100] =	vst v2;
	v1 =	vand.u32 $0x7, v15;
	v15 =	vor.u32 v22, v16;
	v16 =	vand.u32 $0x7, v13  }
0x5c: {  	v57 =	vadd.s32 v5, v23;
	v13 =	vld.idx.msk [tilespmem:v25+s3+$0x0], $0xffff;
	v30 =	vadd.s32 v9, v0;
	v25 =	vor.u32 v16, v31  }
0x5d: {  	v39 =	vadd.s32 v5, v24;
	[tilespmem:s30+$0x80] =	vst v12;
	v12 =	vadd.s32 v5, v21;
	v30 =	vor.u32 v1, v30  }
0x5e: {  	v3 =	vadd.s32 $0x1388, v9;
	v2 =	vand.u32 $0xFFFFFFF8, v6;
	v20 =	vld.idx.msk [tilespmem:v20+s3+$0x0], $0xffff;
	v32 =	vor.u32 v19, v12;
	[tilespmem:s2+$0x180] =	vst v14  }
0x5f: {  	v39 =	vor.u32 v26, v39;
	v6 =	vand.u32 $0x7, v6;
	v31 =	vadd.s32 v9, v2;
	[tilespmem:s29+$0x100] =	vst v27;
	v27 =	vld.idx.msk [tilespmem:v28+s3+$0x0], $0xffff  }
0x60: {  	v60 =	vadd.s32 v3, v23;
	v31 =	vor.u32 v6, v31;
	v14 =	vadd.s32 v3, v18;
	v28 =	vld.idx.msk [tilespmem:v15+s3+$0x0], $0xffff  }
0x61: {  	v54 =	vadd.s32 v11, v10;
	v12 =	vand.u32 $0xFFFFFFF8, v29;
	[tilespmem:s28+$0x180] =	vst v13;
	v15 =	vor.u32 v17, v14;
	v13 =	vld.idx.msk [tilespmem:v25+s3+$0x0], $0xffff  }
0x62: {  	s17 =	sor.u32 $0x20, s13;
	v34 =	vadd.s32 v9, v12;
	v14 =	vand.u32 $0x7, v29;
	v29 =	vld.idx.msk [tilespmem:v30+s3+$0x0], $0xffff;
	v30 =	vor.u32 v26, v33  }
0x63: {  	s7 =	sand.u32 $0x3FFFFFF0, s17;
	v36 =	vadd.s32 v8, v10;
	v37 =	vadd.s32 v7, v10;
	v32 =	vld.idx.msk [tilespmem:v32+s3+$0x0], $0xffff;
	v34 =	vor.u32 v14, v34  }
0x64: {  	v45 =	vld.idx.msk [tilespmem:v4+s7+$0x0 ss:$0x1], $0xffff;
	v51 =	vadd.s32 v3, v10;
	v25 =	vadd.s32 v3, v21;
	v33 =	vor.u32 v16, v54  }
0x65: {  	v35 =	vadd.s32 v11, v2;
	v25 =	vor.u32 v19, v25;
	v31 =	vld.idx.msk [tilespmem:v31+s3+$0x0], $0xffff;
	[tilespmem:s2+$0x200] =	vst v27  }
0x66: {  	v58 =	vadd.s32 v8, v2;
	v38 =	vadd.s32 v11, v0;
	[tilespmem:s30+$0x100] =	vst v20;
	v55 =	vld.idx.msk [tilespmem:v15+s3+$0x0], $0xffff  }
0x67: {  	s9 =	simm.s32 $0x70;
	v56 =	vadd.s32 v11, v12;
	v38 =	vor.u32 v1, v38;
	[tilespmem:s26+$0x0] =	vst v13;
	v30 =	vld.idx.msk [tilespmem:v30+s3+$0x0], $0xffff  }
0x68: {  	s19 =	simm.s32 $0x40;
	s15 =	simm.s32 $0x50;
	s10 =	sand.u32 $0x70, s9;
	v36 =	vor.u32 v16, v36;
	v27 =	vor.u32 v6, v35;
	[tilespmem:s28+$0x200] =	vst v32;
	v34 =	vld.idx.msk [tilespmem:v34+s3+$0x0], $0xffff  }
0x69: {  	s9 =	sand.u32 $0x50, s15;
	s7 =	sand.u32 $0x40, s19;
	s25 =	sor.u32 s10, s0;
	v37 =	vor.u32 v16, v37;
	v32 =	vor.u32 v22, v57;
	[tilespmem:s29+$0x180] =	vst v28;
	v33 =	vld.idx.msk [tilespmem:v33+s3+$0x0], $0xffff  }
0x6a: {  	s31 =	sor.u32 s9, s0;
	s0 =	sor.u32 s7, s0;
	v13 =	vadd.s32 $0x1B58, v9;
	v15 =	vadd.s32 v3, v2;
	[tilespmem:s25+$0x0] =	vst v31;
	v31 =	vor.u32 v14, v56;
	v25 =	vld.idx.msk [tilespmem:v25+s3+$0x0], $0xffff  }
0x6b: {  	v42 =	vadd.s32 v13, v24;
	v41 =	vadd.s32 v13, v23;
	v28 =	vadd.s32 v13, v21;
	[tilespmem:s0+$0x0] =	vst v29  }
0x6c: {  	v20 =	vor.u32 v6, v15;
	v15 =	vadd.s32 $0x1770, v9;
	v41 =	vor.u32 v22, v41;
	v29 =	vld.idx.msk [tilespmem:v38+s3+$0x0], $0xffff  }
0x6d: {  	s8 =	sor.u32 $0x30, s13;
	v47 =	vor.u32 v19, v28;
	v44 =	vadd.s32 v15, v18;
	v27 =	vld.idx.msk [tilespmem:v27+s3+$0x0], $0xffff;
	[tilespmem:s31+$0x0] =	vst v34  }
0x6e: {  	s8 =	sand.u32 $0x3FFFFFF0, s8;
	v28 =	vadd.s32 v8, v12;
	v44 =	vor.u32 v17, v44;
	[tilespmem:s30+$0x180] =	vst v30;
	v30 =	vld.idx.msk [tilespmem:v32+s3+$0x0], $0xffff  }
0x6f: {  	v46 =	vadd.s32 v15, v24;
	v34 =	vor.u32 v6, v58;
	[tilespmem:s28+$0x280] =	vst v25;
	v25 =	vld.idx.msk [tilespmem:v4+s8+$0x0 ss:$0x1], $0xffff  }
0x70: {  	v28 =	vor.u32 v14, v28;
	[tilespmem:s26+$0x80] =	vst v33;
	v33 =	vor.u32 v22, v60;
	v31 =	vld.idx.msk [tilespmem:v31+s3+$0x0], $0xffff  }
0x71: {  	v23 =	vadd.s32 v15, v23;
	v21 =	vadd.s32 v15, v21;
	[tilespmem:s2+$0x280] =	vst v55;
	v61 =	vld.idx.msk [tilespmem:v36+s3+$0x0], $0xffff  }
0x72: {  	v62 =	vor.u32 v22, v23;
	v22 =	vadd.s32 v3, v24;
	v59 =	vld.idx.msk [tilespmem:v39+s3+$0x0], $0xffff;
	[tilespmem:s0+$0x80] =	vst v29  }
0x73: {  	v18 =	vadd.s32 v13, v18;
	v22 =	vor.u32 v26, v22;
	[tilespmem:s25+$0x80] =	vst v27;
	v27 =	vld.idx.msk [tilespmem:v44+s3+$0x0], $0xffff  }
0x74: {  	v24 =	vadd.s32 v7, v2;
	v23 =	vld.idx.msk [tilespmem:v34+s3+$0x0], $0xffff;
	[tilespmem:s29+$0x200] =	vst v30;
	v30 =	vor.u32 v17, v18  }
0x75: {  	v60 =	vadd.s32 v5, v2;
	v24 =	vor.u32 v6, v24;
	[tilespmem:s31+$0x80] =	vst v31;
	v33 =	vld.idx.msk [tilespmem:v33+s3+$0x0], $0xffff  }
0x76: {  	v31 =	vor.u32 v19, v21;
	v19 =	vadd.s32 v8, v0;
	[tilespmem:s26+$0x100] =	vst v61;
	v28 =	vld.idx.msk [tilespmem:v28+s3+$0x0], $0xffff  }
0x77: {  	v29 =	vor.u32 v26, v46;
	[tilespmem:s30+$0x200] =	vst v59;
	v63 =	vor.u32 v1, v19;
	v52 =	vld.idx.msk [tilespmem:v37+s3+$0x0], $0xffff  }
0x78: {  	v18 =	vand.u32 $0xFFFFFFF8, v45;
	v17 =	vadd.s32 v5, v10;
	v21 =	vand.u32 $0xFFFFFFF8, v43;
	v55 =	vld.idx.msk [tilespmem:v22+s3+$0x0], $0xffff;
	[tilespmem:s2+$0x300] =	vst v27  }
0x79: {  	v53 =	vadd.s32 v9, v18;
	v57 =	vor.u32 v16, v17;
	v17 =	vand.u32 $0x7, v43;
	[tilespmem:s25+$0x100] =	vst v23;
	v59 =	vld.idx.msk [tilespmem:v30+s3+$0x0], $0xffff  }
0x7a: {  	v58 =	vadd.s32 v11, v18;
	v54 =	vadd.s32 v9, v21;
	v22 =	vadd.s32 v7, v12;
	v48 =	vld.idx.msk [tilespmem:v24+s3+$0x0], $0xffff  }
0x7b: {  	v49 =	vadd.s32 v8, v18;
	v37 =	vor.u32 v17, v54;
	v27 =	vor.u32 v14, v22;
	v31 =	vld.idx.msk [tilespmem:v31+s3+$0x0], $0xffff  }
0x7c: {  	v23 =	vand.u32 $0x7, v25;
	v24 =	vand.u32 $0xFFFFFFF8, v25;
	[tilespmem:s29+$0x280] =	vst v33;
	v25 =	vand.u32 $0x7, v45;
	v34 =	vld.idx.msk [tilespmem:v63+s3+$0x0], $0xffff  }
0x7d: {  	v30 =	vadd.s32 v9, v24;
	[tilespmem:s26+$0x180] =	vst v52;
	v50 =	vld.idx.msk [tilespmem:v62+s3+$0x0], $0xffff;
	v45 =	vor.u32 v25, v53  }
0x7e: {  	v43 =	vor.u32 v26, v42;
	v19 =	vand.u32 $0xFFFFFFF8, v40;
	[tilespmem:s30+$0x280] =	vst v55;
	v61 =	vor.u32 v23, v30;
	v44 =	vld.idx.msk [tilespmem:v57+s3+$0x0], $0xffff  }
0x7f: {  	v56 =	vadd.s32 v9, v19;
	v22 =	vand.u32 $0x7, v40;
	v33 =	vor.u32 v6, v60;
	[tilespmem:s31+$0x100] =	vst v28;
	v52 =	vld.idx.msk [tilespmem:v29+s3+$0x0], $0xffff  }
0x80: {  	v36 =	vor.u32 v22, v56;
	v62 =	vadd.s32 v7, v18;
	v30 =	vld.idx.msk [tilespmem:v37+s3+$0x0], $0xffff;
	[tilespmem:s2+$0x380] =	vst v59  }
0x81: {  	v28 =	vadd.s32 v3, v24;
	v38 =	vor.u32 v25, v58;
	v32 =	vld.idx.msk [tilespmem:v27+s3+$0x0], $0xffff;
	[tilespmem:s28+$0x300] =	vst v31  }
0x82: {  	v63 =	vadd.s32 v7, v0;
	[tilespmem:s25+$0x180] =	vst v48;
	v39 =	vld.idx.msk [tilespmem:v45+s3+$0x0], $0xffff;
	v45 =	vor.u32 v16, v51  }
0x83: {  	v28 =	vor.u32 v23, v28;
	v27 =	vadd.s32 v11, v24;
	[tilespmem:s0+$0x100] =	vst v34;
	v37 =	vld.idx.msk [tilespmem:v61+s3+$0x0], $0xffff  }
0x84: {  	s15 =	simm.s32 $0x400;
	v35 =	vor.u32 v23, v27;
	v40 =	vld.idx.msk [tilespmem:v33+s3+$0x0], $0xffff;
	[tilespmem:s26+$0x200] =	vst v44;
	v44 =	vor.u32 v1, v63  }
0x85: {  	s20 =	sand.u32 $0x7C00, s15;
	s7 =	simm.s32 $0x8;
	v27 =	vadd.s32 v11, v21;
	s2 =	simm.s32 $0xB0;
	v31 =	vor.u32 v25, v49;
	[tilespmem:s29+$0x300] =	vst v50;
	v42 =	vld.idx.msk [tilespmem:v47+s3+$0x0], $0xffff  }
0x86: {  	s10 =	sadd.s32 $0x9D00, s20;
	s8 =	simm.s32 $0xC;
	v29 =	vor.u32 v17, v27;
	v27 =	vor.u32 v25, v62;
	s9 =	sand.u32 $0x70, s2;
	v41 =	vld.idx.msk [tilespmem:v41+s3+$0x0], $0xffff;
	[tilespmem:s30+$0x300] =	vst v52  }
.LBB2_3:
0x87: {  	s17 =	sshll.u32 s8, $0x4;
	s13 =	sadd.s32 $0xFFFFFFF0, s2;
	s19 =	sor.u32 s9, s10;
	v45 =	vld.idx.msk [tilespmem:v45+s3+$0x0], $0xffff  }
0x88: {  	v34 =	vadd.s32 v13, v0;
	v26 =	vadd.s32 v13, v12;
	s9 =	sor.u32 $0x10, s17;
	s14 =	sor.u32 $0x30, s17;
	s20 =	sand.u32 $0x60, s13;
	[tilespmem:s19+$0x0] =	vst v37;
	v43 =	vld.idx.msk [tilespmem:v43+s3+$0x0], $0xffff  }
0x89: {  	v33 =	vadd.s32 v13, v2;
	v26 =	vor.u32 v14, v26;
	s16 =	sand.u32 $0x3FFFFFF0, s9;
	s13 =	sand.u32 $0x3FFFFFF0, s14;
	s9 =	sor.u32 s20, s10;
	v44 =	vld.idx.msk [tilespmem:v44+s3+$0x0], $0xffff;
	[tilespmem:s25+$0x200] =	vst v40  }
0x8a: {  	s7 =	sadd.s32 $0x4, s7;
	v37 =	vadd.s32 v15, v0;
	v33 =	vor.u32 v6, v33;
	s14 =	sand.u32 $0x3FFFFFF0, s17;
	v36 =	vld.idx.msk [tilespmem:v36+s3+$0x0], $0xffff;
	[tilespmem:s9+$0x0] =	vst v39  }
0x8b: {  	p2 =	slt.u32 s7, $0xFC;
	v40 =	vadd.s32 v15, v12;
	v39 =	vadd.s32 v11, v19;
	v38 =	vld.idx.msk [tilespmem:v38+s3+$0x0], $0xffff;
	[tilespmem:s29+$0x380] =	vst v41;
	s29 =	smov.u32 s31  }
0x8c: {  	v39 =	vor.u32 v22, v39;
	v41 =	vadd.s32 v5, v12;
	v46 =	vld.idx.msk [tilespmem:v20+s3+$0x0], $0xffff;
	[tilespmem:s28+$0x380] =	vst v42;
	v20 =	vmov v28;
	s28 =	smov.u32 s25;
	s25 =	smov.u32 s19  }
0x8d: {  	s19 =	sadd.s32 $0xFFFFFFE0, s2;
	v41 =	vor.u32 v14, v41;
	v28 =	vld.idx.msk [tilespmem:v35+s3+$0x0], $0xffff;
	v35 =	vadd.s32 v5, v0;
	[tilespmem:s26+$0x280] =	vst v45  }
0x8e: {  	v40 =	vor.u32 v14, v40;
	v42 =	vld.idx.msk [tilespmem:v4+s16+$0x0 ss:$0x1], $0xffff;
	s16 =	sor.u32 $0x20, s17;
	s17 =	sand.u32 $0x50, s19;
	v35 =	vor.u32 v1, v35;
	[tilespmem:s30+$0x380] =	vst v43;
	s30 =	smov.u32 s0  }
0x8f: {  	v45 =	vadd.s32 v15, v10;
	v43 =	vld.idx.msk [tilespmem:v4+s14+$0x0 ss:$0x1], $0xffff;
	s0 =	sand.u32 $0x3FFFFFF0, s16;
	s31 =	sor.u32 s17, s10;
	[tilespmem:s30+$0x180] =	vst v44;
	v44 =	vadd.s32 v3, v0;
	v0 =	vmov v21  }
0x90: {  	v21 =	vadd.s32 v8, v24;
	v47 =	vld.idx.msk [tilespmem:v4+s0+$0x0 ss:$0x1], $0xffff;
	[tilespmem:s31+$0x0] =	vst v36;
	v36 =	vor.u32 v16, v45  }
0x91: {  	v21 =	vor.u32 v23, v21;
	v39 =	vld.idx.msk [tilespmem:v39+s3+$0x0], $0xffff;
	[tilespmem:s29+$0x180] =	vst v32;
	v32 =	vadd.s32 v13, v10;
	v10 =	vmov v18  }
0x92: {  	v44 =	vor.u32 v1, v44;
	v18 =	vadd.s32 v3, v12;
	v12 =	vmov v19;
	v41 =	vld.idx.msk [tilespmem:v41+s3+$0x0], $0xffff;
	[tilespmem:s28+$0x280] =	vst v46  }
0x93: {  	s0 =	sadd.s32 $0xFFFFFFD0, s2;
	v19 =	vadd.s32 v8, v12;
	[tilespmem:s9+$0x80] =	vst v38;
	v35 =	vld.idx.msk [tilespmem:v35+s3+$0x0], $0xffff;
	v38 =	vadd.s32 v15, v2;
	v2 =	vmov v24  }
0x94: {  	s0 =	sand.u32 $0x40, s0;
	v45 =	vor.u32 v14, v18;
	v24 =	vor.u32 v22, v19;
	v31 =	vld.idx.msk [tilespmem:v31+s3+$0x0], $0xffff;
	v38 =	vor.u32 v6, v38  }
0x95: {  	s0 =	sor.u32 s0, s10;
	v32 =	vor.u32 v16, v32;
	v14 =	vmov v22;
	v19 =	vadd.s32 v8, v0;
	[tilespmem:s25+$0x80] =	vst v28;
	v28 =	vld.idx.msk [tilespmem:v36+s3+$0x0], $0xffff  }
0x96: {  	v46 =	vadd.s32 v5, v10;
	v18 =	vand.u32 $0xFFFFFFF8, v47;
	[tilespmem:s0+$0x0] =	vst v30;
	v30 =	vor.u32 v17, v19;
	v48 =	vld.idx.msk [tilespmem:v21+s3+$0x0], $0xffff  }
0x97: {  	v22 =	vadd.s32 v7, v2;
	v6 =	vmov v23;
	v49 =	vadd.s32 v9, v18;
	v50 =	vld.idx.msk [tilespmem:v4+s13+$0x0 ss:$0x1], $0xffff;
	[tilespmem:s31+$0x80] =	vst v39  }
0x98: {  	v16 =	vmovc v25;
	v21 =	vand.u32 $0xFFFFFFF8, v43;
	v19 =	vand.u32 $0xFFFFFFF8, v42;
	v23 =	vld.idx.msk [tilespmem:v29+s3+$0x0], $0xffff;
	v29 =	vor.u32 v6, v22;
	[tilespmem:s29+$0x200] =	vst v41  }
0x99: {  	s15 =	sadd.s32 $0x200, s15;
	s2 =	sadd.s32 $0x40, s2;
	v25 =	vadd.s32 v9, v21;
	v36 =	vadd.s32 v9, v19;
	v39 =	vld.idx.msk [tilespmem:v24+s3+$0x0], $0xffff;
	[tilespmem:s30+$0x200] =	vst v35  }
0x9a: {  	v41 =	vand.u32 $0x7, v43;
	v22 =	vand.u32 $0x7, v42;
	v42 =	vadd.s32 v11, v18;
	[tilespmem:s9+$0x100] =	vst v31;
	v31 =	vld.idx.msk [tilespmem:v45+s3+$0x0], $0xffff  }
0x9b: {  	v43 =	vor.u32 v41, v25;
	v45 =	vadd.s32 v8, v18;
	v25 =	vld.idx.msk [tilespmem:v27+s3+$0x0], $0xffff;
	[tilespmem:s26+$0x300] =	vst v28  }
0x9c: {  	v36 =	vor.u32 v22, v36;
	v27 =	vadd.s32 v7, v18;
	[tilespmem:s25+$0x100] =	vst v48;
	v44 =	vld.idx.msk [tilespmem:v44+s3+$0x0], $0xffff  }
0x9d: {  	v46 =	vor.u32 v16, v46;
	v28 =	vadd.s32 v7, v12;
	v24 =	vand.u32 $0xFFFFFFF8, v50;
	v48 =	vld.idx.msk [tilespmem:v29+s3+$0x0], $0xffff  }
0x9e: {  	v51 =	vor.u32 v14, v28;
	v29 =	vadd.s32 v9, v24;
	v35 =	vadd.s32 v11, v24;
	v52 =	vld.idx.msk [tilespmem:v38+s3+$0x0], $0xffff  }
0x9f: {  	v37 =	vor.u32 v1, v37;
	v53 =	vadd.s32 v3, v10;
	[tilespmem:s0+$0x80] =	vst v23;
	v54 =	vld.idx.msk [tilespmem:v32+s3+$0x0], $0xffff  }
0xa0: {  	v28 =	vadd.s32 v3, v24;
	v23 =	vand.u32 $0x7, v50;
	v50 =	vld.idx.msk [tilespmem:v30+s3+$0x0], $0xffff;
	v30 =	vadd.s32 v5, v2;
	[tilespmem:s29+$0x280] =	vst v31  }
0xa1: {  	v55 =	vor.u32 v23, v29;
	v35 =	vor.u32 v23, v35;
	[tilespmem:s9+$0x180] =	vst v25;
	v56 =	vld.idx.msk [tilespmem:v40+s3+$0x0], $0xffff  }
0xa2: {  	v28 =	vor.u32 v23, v28;
	v25 =	vand.u32 $0x7, v47;
	[tilespmem:s31+$0x100] =	vst v39;
	v46 =	vld.idx.msk [tilespmem:v46+s3+$0x0], $0xffff;
	v39 =	vor.u32 v6, v30  }
0xa3: {  	v47 =	vor.u32 v25, v49;
	v38 =	vor.u32 v25, v42;
	v32 =	vld.idx.msk [tilespmem:v51+s3+$0x0], $0xffff;
	[tilespmem:s30+$0x280] =	vst v44  }
0xa4: {  	v29 =	vadd.s32 v11, v21;
	v31 =	vor.u32 v25, v45;
	v42 =	vld.idx.msk [tilespmem:v37+s3+$0x0], $0xffff;
	[tilespmem:s28+$0x300] =	vst v52  }
0xa5: {  	v29 =	vor.u32 v41, v29;
	v27 =	vor.u32 v25, v27;
	v30 =	vld.idx.msk [tilespmem:v43+s3+$0x0], $0xffff;
	[tilespmem:s25+$0x180] =	vst v48  }
.Ltmp0:
0xa6: {  	v45 =	vor.u32 v16, v53;
	v43 =	vor.u32 v1, v34;
	v1 =	vmov v17;
	v37 =	vld.idx.msk [tilespmem:v55+s3+$0x0], $0xffff;
	[tilespmem:s26+$0x380] =	vst v54;
	s26 =	smov.u32 s9;
	(pc) =	sbr.rel @p2 .LBB2_3-.Ltmp0, $4  }
0xa7: {  	v34 =	vadd.s32 v7, v0;
	v17 =	vmov v41;
	[tilespmem:s0+$0x100] =	vst v50;
	v40 =	vld.idx.msk [tilespmem:v39+s3+$0x0], $0xffff  }
0xa8: {  	v44 =	vor.u32 v1, v34;
	v39 =	vld.idx.msk [tilespmem:v47+s3+$0x0], $0xffff;
	[tilespmem:s29+$0x300] =	vst v56  }
0xa9: {  	s9 =	sand.u32 $0x7C00, s15;
	[tilespmem:s26+$0x200] =	vst v46;
	v41 =	vld.idx.msk [tilespmem:v26+s3+$0x0], $0xffff  }
0xaa: {  	s8 =	sadd.s32 $0x4, s8;
	s10 =	sadd.s32 $0x9D00, s9;
	s9 =	sand.u32 $0x70, s2;
	[tilespmem:s30+$0x300] =	vst v42;
	v42 =	vld.idx.msk [tilespmem:v33+s3+$0x0], $0xffff  }
0xab: {  	_ =	sdelay $0x2  }
0xac: {  	s8 =	sadd.s32 $0xFFFFFFF0, s2;
	s7 =	sor.u32 s9, s10;
	[tilespmem:s31+$0x180] =	vst v32  }
0xad: {  	v4 =	vld.idx.msk [tilespmem:v45+s3+$0x0], $0xffff;
	s8 =	sand.u32 $0x60, s8;
	[tilespmem:s7+$0x0] =	vst v37  }
0xae: {  	v9 =	vld.idx.msk [tilespmem:v43+s3+$0x0], $0xffff;
	s13 =	sadd.s32 $0xFFFFFFD0, s2;
	[tilespmem:s25+$0x200] =	vst v40;
	s8 =	sor.u32 s8, s10  }
0xaf: {  	v26 =	vld.idx.msk [tilespmem:v36+s3+$0x0], $0xffff;
	v11 =	vadd.s32 v11, v19;
	s20 =	sadd.s32 $0xFFFFFFE0, s2;
	s2 =	sand.u32 $0x40, s13;
	[tilespmem:s8+$0x0] =	vst v39  }
0xb0: {  	v33 =	vld.idx.msk [tilespmem:v44+s3+$0x0], $0xffff;
	v11 =	vor.u32 v22, v11;
	s2 =	sor.u32 s2, s10;
	[tilespmem:s29+$0x380] =	vst v41  }
0xb1: {  	v36 =	vadd.s32 v8, v24;
	v63 =	vld.idx.msk [tilespmem:v35+s3+$0x0], $0xffff;
	[tilespmem:s2+$0x0] =	vst v30  }
0xb2: {  	v34 =	vadd.s32 v5, v12;
	s9 =	sand.u32 $0x50, s20;
	v30 =	vor.u32 v23, v36;
	[tilespmem:s26+$0x280] =	vst v4;
	v4 =	vld.idx.msk [tilespmem:v20+s3+$0x0], $0xffff  }
0xb3: {  	v34 =	vor.u32 v14, v34;
	s9 =	sor.u32 s9, s10;
	v29 =	vld.idx.msk [tilespmem:v29+s3+$0x0], $0xffff;
	v20 =	vadd.s32 v5, v0;
	[tilespmem:s30+$0x380] =	vst v9  }
0xb4: {  	v9 =	vld.idx.msk [tilespmem:v38+s3+$0x0], $0xffff;
	[tilespmem:s9+$0x0] =	vst v26;
	v20 =	vor.u32 v1, v20  }
0xb5: {  	[tilespmem:s0+$0x180] =	vst v33;
	v26 =	vadd.s32 v8, v19;
	v11 =	vld.idx.msk [tilespmem:v11+s3+$0x0], $0xffff  }
0xb6: {  	v8 =	vadd.s32 v8, v21;
	v26 =	vor.u32 v22, v26;
	[tilespmem:s7+$0x80] =	vst v63  }
0xb7: {  	v39 =	vadd.s32 v7, v24;
	v30 =	vld.idx.msk [tilespmem:v30+s3+$0x0], $0xffff;
	[tilespmem:s25+$0x280] =	vst v4;
	v4 =	vor.u32 v17, v8  }
0xb8: {  	v37 =	vadd.s32 v15, v10;
	v34 =	vld.idx.msk [tilespmem:v34+s3+$0x0], $0xffff;
	[tilespmem:s2+$0x80] =	vst v29;
	v29 =	vor.u32 v23, v39  }
0xb9: {  	v38 =	vadd.s32 v3, v12;
	v8 =	vor.u32 v16, v37;
	[tilespmem:s8+$0x80] =	vst v9;
	v9 =	vld.idx.msk [tilespmem:v20+s3+$0x0], $0xffff  }
0xba: {  	v20 =	vld.idx.msk [tilespmem:v31+s3+$0x0], $0xffff;
	v31 =	vor.u32 v14, v38;
	[tilespmem:s9+$0x80] =	vst v11  }
0xbb: {  	[tilespmem:s28+$0x380] =	vst v42;
	v11 =	vld.idx.msk [tilespmem:v26+s3+$0x0], $0xffff;
	v26 =	vadd.s32 v7, v19  }
0xbc: {  	v7 =	vadd.s32 v7, v21;
	v26 =	vor.u32 v22, v26;
	[tilespmem:s7+$0x100] =	vst v30;
	v4 =	vld.idx.msk [tilespmem:v4+s3+$0x0], $0xffff  }
0xbd: {  	v40 =	vadd.s32 v3, v0;
	[tilespmem:s31+$0x200] =	vst v34;
	v7 =	vor.u32 v17, v7;
	v29 =	vld.idx.msk [tilespmem:v29+s3+$0x0], $0xffff  }
0xbe: {  	v41 =	vadd.s32 v15, v2;
	v8 =	vld.idx.msk [tilespmem:v8+s3+$0x0], $0xffff;
	[tilespmem:s0+$0x200] =	vst v9;
	v9 =	vor.u32 v1, v40  }
0xbf: {  	v10 =	vadd.s32 v13, v10;
	[tilespmem:s8+$0x100] =	vst v20;
	v20 =	vld.idx.msk [tilespmem:v31+s3+$0x0], $0xffff;
	v31 =	vor.u32 v6, v41  }
0xc0: {  	v10 =	vor.u32 v16, v10;
	v42 =	vadd.s32 v5, v18;
	v27 =	vld.idx.msk [tilespmem:v27+s3+$0x0], $0xffff;
	[tilespmem:s9+$0x100] =	vst v11  }
0xc1: {  	v30 =	vadd.s32 v5, v19;
	v11 =	vor.u32 v25, v42;
	v26 =	vld.idx.msk [tilespmem:v26+s3+$0x0], $0xffff;
	[tilespmem:s2+$0x100] =	vst v4  }
0xc2: {  	v43 =	vadd.s32 v5, v24;
	v4 =	vor.u32 v22, v30;
	v7 =	vld.idx.msk [tilespmem:v7+s3+$0x0], $0xffff  }
0xc3: {  	v5 =	vadd.s32 v5, v21;
	[tilespmem:s26+$0x300] =	vst v8;
	v8 =	vor.u32 v23, v43;
	v9 =	vld.idx.msk [tilespmem:v9+s3+$0x0], $0xffff  }
0xc4: {  	v5 =	vor.u32 v17, v5;
	[tilespmem:s31+$0x280] =	vst v20;
	v20 =	vadd.s32 v15, v12;
	v16 =	vld.idx.msk [tilespmem:v31+s3+$0x0], $0xffff  }
0xc5: {  	v2 =	vadd.s32 v13, v2;
	v10 =	vld.idx.msk [tilespmem:v10+s3+$0x0], $0xffff;
	[tilespmem:s8+$0x180] =	vst v27;
	v20 =	vor.u32 v14, v20  }
0xc6: {  	v2 =	vor.u32 v6, v2;
	v27 =	vadd.s32 v3, v18;
	v11 =	vld.idx.msk [tilespmem:v11+s3+$0x0], $0xffff;
	[tilespmem:s9+$0x180] =	vst v26  }
0xc7: {  	[tilespmem:s7+$0x180] =	vst v29;
	v26 =	vor.u32 v25, v27;
	v27 =	vadd.s32 v3, v19;
	v4 =	vld.idx.msk [tilespmem:v4+s3+$0x0], $0xffff  }
0xc8: {  	v8 =	vld.idx.msk [tilespmem:v8+s3+$0x0], $0xffff;
	[tilespmem:s2+$0x180] =	vst v7;
	v7 =	vor.u32 v22, v27  }
0xc9: {  	v3 =	vadd.s32 v3, v21;
	[tilespmem:s0+$0x280] =	vst v9;
	v5 =	vld.idx.msk [tilespmem:v5+s3+$0x0], $0xffff  }
0xca: {  	v3 =	vor.u32 v17, v3;
	v9 =	vadd.s32 v15, v0;
	[tilespmem:s25+$0x300] =	vst v16;
	v16 =	vld.idx.msk [tilespmem:v20+s3+$0x0], $0xffff  }
0xcb: {  	v12 =	vadd.s32 v13, v12;
	v9 =	vor.u32 v1, v9;
	v2 =	vld.idx.msk [tilespmem:v2+s3+$0x0], $0xffff;
	[tilespmem:s8+$0x200] =	vst v11  }
0xcc: {  	v11 =	vor.u32 v14, v12;
	v14 =	vadd.s32 v15, v18;
	v12 =	vld.idx.msk [tilespmem:v26+s3+$0x0], $0xffff;
	[tilespmem:s9+$0x200] =	vst v4  }
0xcd: {  	[tilespmem:s7+$0x200] =	vst v8;
	v4 =	vadd.s32 v15, v19;
	v8 =	vor.u32 v25, v14;
	v7 =	vld.idx.msk [tilespmem:v7+s3+$0x0], $0xffff  }
0xce: {  	v20 =	vadd.s32 v15, v24;
	v14 =	vld.idx.msk [tilespmem:v28+s3+$0x0], $0xffff;
	v4 =	vor.u32 v22, v4;
	[tilespmem:s2+$0x200] =	vst v5  }
0xcf: {  	[tilespmem:s26+$0x380] =	vst v10;
	v10 =	vor.u32 v23, v20;
	v5 =	vadd.s32 v15, v21;
	v3 =	vld.idx.msk [tilespmem:v3+s3+$0x0], $0xffff  }
0xd0: {  	v9 =	vld.idx.msk [tilespmem:v9+s3+$0x0], $0xffff;
	[tilespmem:s31+$0x300] =	vst v16;
	v5 =	vor.u32 v17, v5  }
0xd1: {  	v0 =	vadd.s32 v13, v0;
	v6 =	vld.idx.msk [tilespmem:v11+s3+$0x0], $0xffff;
	[tilespmem:s8+$0x280] =	vst v12  }
0xd2: {  	s14 =	sor.u32 $0x1, s22;
	v0 =	vor.u32 v1, v0;
	v1 =	vadd.s32 v13, v18;
	v8 =	vld.idx.msk [tilespmem:v8+s3+$0x0], $0xffff;
	[tilespmem:s9+$0x280] =	vst v7  }
0xd3: {  	(drf) =	sdivrem.u32 s14, s6;
	v1 =	vor.u32 v25, v1;
	v7 =	vadd.s32 v13, v19;
	[tilespmem:s7+$0x280] =	vst v14;
	v4 =	vld.idx.msk [tilespmem:v4+s3+$0x0], $0xffff  }
0xd4: {  	v11 =	vadd.s32 v13, v24;
	v7 =	vor.u32 v22, v7;
	v10 =	vld.idx.msk [tilespmem:v10+s3+$0x0], $0xffff;
	[tilespmem:s2+$0x280] =	vst v3  }
0xd5: {  	[tilespmem:s0+$0x300] =	vst v9;
	v9 =	vor.u32 v23, v11;
	v3 =	vadd.s32 v13, v21;
	v5 =	vld.idx.msk [tilespmem:v5+s3+$0x0], $0xffff  }
0xd6: {  	[tilespmem:s25+$0x380] =	vst v2;
	v3 =	vor.u32 v17, v3  }
0xd7: {  	v0 =	vld.idx.msk [tilespmem:v0+s3+$0x0], $0xffff;
	[tilespmem:s8+$0x300] =	vst v8  }
0xd8: {  	v1 =	vld.idx.msk [tilespmem:v1+s3+$0x0], $0xffff;
	[tilespmem:s9+$0x300] =	vst v4  }
0xd9: {  	[tilespmem:s7+$0x300] =	vst v10;
	v4 =	vld.idx.msk [tilespmem:v7+s3+$0x0], $0xffff  }
0xda: {  	[tilespmem:s2+$0x300] =	vst v5;
	v5 =	vld.idx.msk [tilespmem:v9+s3+$0x0], $0xffff  }
0xdb: {  	[tilespmem:s31+$0x380] =	vst v6;
	v2 =	vld.idx.msk [tilespmem:v3+s3+$0x0], $0xffff  }
0xdc: {  	s15 =	smul.u32 $0x3E8000, s23;
	s16 =	sadd.s32 s5, s24;
	s20 =	spop (drf);
	[tilespmem:s0+$0x380] =	vst v0  }
0xdd: {  	s17 =	sshll.u32 s16, $0xF;
	s23 =	spop (drf);
	[tilespmem:s8+$0x380] =	vst v1  }
0xde: {  	p2 =	slt.s32 s22, $0x0;
	p3 =	sne.s32 s23, $0x0;
	s0 =	sadd.s32 s17, s15;
	[tilespmem:s9+$0x380] =	vst v4  }
0xdf: {  	s19 =	simm.s32 $0x9D00;
	p2 =	por !p2, !p3;
	s0 =	sshrl.u32 s0, $0x3;
	[tilespmem:s7+$0x380] =	vst v5  }
0xe0: {  	p2 =	por !p2, !p2;
	s0 =	sadd.s32 s1, s0;
	[tilespmem:s2+$0x380] =	vst v2;
	s2 =	simm.s32 $0x1  }
0xe1: {  	[hbm4b:s0+s3] =	stream.linear.scatter [tilespmem:s19], [sflag:$0x1], $0x8000, $0x38;
	[tilespmem:$0x19D00] =	vst v63  }
0xe2: {  	s2 =	simm.s32 @!p2 $0x0  }
0xe3: {  	s22 =	ssub.s32 s20, s2  }
0xe4: {  	p2 =	slt.s32 @!p3 s22, $0x1  }
0xe5: {  	p3 =	por p2, p3;
	p2 =	sne.s32 s23, s11  }
0xe6: {  	s0 =	simm.s32 @!p3 $0x3;
	p4 =	sgt.s32 @!p2 s22, $0x12  }
0xe7: {  	s24 =	sshll.u32 s22, $0xC;
	p2 =	por p4, p2;
	_ =	swait.ge @!p3 [sflag:s0], $0x1000  }
0xe8: {  	s7 =	sand.u32 $0x1000, s24;
	[sflag:s0] =	ssyncset.done @!p3 $0x0;
	s2 =	sadd.s32 @!p2 $0x1, s22  }
0xe9: {  	[sflag:s0] =	ssyncadd.s32 @!p3 $0xFFFFF000;
	s0 =	sshll.u32 @!p2 s2, $0xC;
	s2 =	sshll.u32 @!p2 s2, $0x9  }
0xea: {  	s7 =	sadd.s32 $0x7D00, s7;
	s0 =	sand.u32 @!p2 $0x1000, s0;
	s2 =	sand.u32 @!p2 $0x1FFFFE00, s2  }
0xeb: {  	s8 =	simm.s32 @!p2 $0x0;
	s0 =	sadd.s32 @!p2 $0x7D00, s0;
	s2 =	sadd.s32 @!p2 s4, s2  }
0xec: {  	v4 =	vmov s7;
	[tilespmem:s0], [sflag:$0x3] =	stream.linear.gather @!p2 [hbm4b:s2+s8], $0x1000, $0x38;
	[tilespmem:$0x19D00] =	vst v63  }
0xed: {  	s0 =	simm.s32 @!p1 $0x2  }
0xee: {  	s25 =	simm.s32 $0x0;
	_ =	swait.ge @!p1 [sflag:s0], $0x8000  }
0xef: {  	s26 =	sor.u32 $0x20, s25;
	[sflag:s0] =	ssyncset.done @!p1 $0x0  }
0xf0: {  	s31 =	sand.u32 $0x3FFFFFF0, s26;
	[sflag:s0] =	ssyncadd.s32 @!p1 $0xFFFF8000  }
0xf1: {  	v0 =	vld.idx.msk [tilespmem:v4+s31+$0x0 ss:$0x1], $0xffff  }
0xf2: {  	v1 =	vmov s23;
	s7 =	sor.u32 $0x30, s25  }
0xf3: {  	v1 =	vmul.u32 $0x1F40, v1;
	s0 =	sand.u32 $0x3FFFFFF0, s7  }
0xf4: {  	v2 =	vld.idx.msk [tilespmem:v4+s0+$0x0 ss:$0x1], $0xffff  }
0xf5: {  	v9 =	vbroadcast v1, $0x0  }
0xf6: {  	s8 =	sor.u32 $0x10, s25;
	v18 =	vand.u32 $0xFFFFFFF8, v0  }
0xf7: {  	s0 =	sand.u32 $0x3FFFFFF0, s8;
	v17 =	vand.u32 $0x7, v0;
	v1 =	vadd.s32 v9, v18  }
0xf8: {  	v0 =	vld.idx.msk [tilespmem:v4+s0+$0x0 ss:$0x1], $0xffff;
	v1 =	vor.u32 v17, v1  }
0xf9: {  	v21 =	vand.u32 $0xFFFFFFF8, v2  }
0xfa: {  	v19 =	vand.u32 $0x7, v2;
	v3 =	vadd.s32 v9, v21  }
0xfb: {  	s9 =	sand.u32 $0x3FFFFFF0, s25;
	v3 =	vor.u32 v19, v3  }
0xfc: {  	v11 =	vadd.s32 $0x3E8, v9;
	v2 =	vld.idx.msk [tilespmem:v4+s9+$0x0 ss:$0x1], $0xffff  }
0xfd: {  	v5 =	vadd.s32 v11, v18;
	v23 =	vand.u32 $0xFFFFFFF8, v0;
	v1 =	vld.idx.msk [tilespmem:v1+s3+$0x0], $0xffff  }
0xfe: {  	s10 =	simm.s32 $0x0;
	v22 =	vand.u32 $0x7, v0;
	v0 =	vor.u32 v17, v5;
	v6 =	vadd.s32 v9, v23  }
0xff: {  	s13 =	simm.s32 $0x20;
	s0 =	sand.u32 $0x7C00, s10;
	v5 =	vor.u32 v22, v6  }
0x100: {  	s2 =	sand.u32 $0x60, s13;
	s0 =	sadd.s32 $0x11D00, s0;
	v6 =	vadd.s32 v11, v21;
	v3 =	vld.idx.msk [tilespmem:v3+s3+$0x0], $0xffff  }
0x101: {  	s2 =	sor.u32 s2, s0;
	v24 =	vand.u32 $0xFFFFFFF8, v2;
	v26 =	vand.u32 $0x7, v2;
	v2 =	vor.u32 v19, v6  }
0x102: {  	s14 =	simm.s32 $0x30;
	v8 =	vadd.s32 $0x7D0, v9;
	v7 =	vadd.s32 v9, v24;
	[tilespmem:s2+$0x0] =	vst v1  }
0x103: {  	s15 =	simm.s32 $0x40;
	s7 =	sand.u32 $0x70, s14;
	v6 =	vor.u32 v26, v7;
	v1 =	vadd.s32 v8, v18;
	v0 =	vld.idx.msk [tilespmem:v0+s3+$0x0], $0xffff  }
0x104: {  	s19 =	sand.u32 $0x3FFFFFF0, s15;
	s26 =	sor.u32 s7, s0;
	v7 =	vadd.s32 v11, v23;
	v5 =	vld.idx.msk [tilespmem:v5+s3+$0x0], $0xffff;
	v1 =	vor.u32 v17, v1  }
0x105: {  	s17 =	sor.u32 $0x20, s15;
	v15 =	vld.idx.msk [tilespmem:v4+s19+$0x0 ss:$0x1], $0xffff;
	[tilespmem:s26+$0x0] =	vst v3;
	v3 =	vor.u32 v22, v7  }
0x106: {  	s16 =	simm.s32 $0x10;
	s9 =	sand.u32 $0x3FFFFFF0, s17;
	v7 =	vadd.s32 v8, v21;
	v2 =	vld.idx.msk [tilespmem:v2+s3+$0x0], $0xffff  }
0x107: {  	s8 =	sand.u32 $0x50, s16;
	v13 =	vld.idx.msk [tilespmem:v4+s9+$0x0 ss:$0x1], $0xffff;
	v10 =	vor.u32 v19, v7  }
0x108: {  	s20 =	simm.s32 $0x0;
	s28 =	sor.u32 s8, s0;
	v12 =	vadd.s32 v11, v24;
	v6 =	vld.idx.msk [tilespmem:v6+s3+$0x0], $0xffff;
	v7 =	vadd.s32 $0xBB8, v9;
	[tilespmem:s2+$0x80] =	vst v0  }
0x109: {  	s25 =	sand.u32 $0x40, s20;
	s7 =	sor.u32 $0x10, s15;
	v12 =	vor.u32 v26, v12;
	[tilespmem:s28+$0x0] =	vst v5;
	v0 =	vadd.s32 v7, v18;
	v1 =	vld.idx.msk [tilespmem:v1+s3+$0x0], $0xffff  }
0x10a: {  	s29 =	sor.u32 s25, s0;
	s0 =	sand.u32 $0x3FFFFFF0, s7;
	v14 =	vld.idx.msk [tilespmem:v3+s3+$0x0], $0xffff;
	v3 =	vadd.s32 v8, v23;
	v0 =	vor.u32 v17, v0  }
0x10b: {  	s24 =	sor.u32 $0x30, s15;
	v29 =	vld.idx.msk [tilespmem:v4+s0+$0x0 ss:$0x1], $0xffff;
	[tilespmem:s26+$0x80] =	vst v2;
	v16 =	vor.u32 v22, v3  }
0x10c: {  	s31 =	sand.u32 $0x3FFFFFF0, s24;
	v20 =	vadd.s32 v8, v24;
	v2 =	vld.idx.msk [tilespmem:v10+s3+$0x0], $0xffff;
	v10 =	vadd.s32 v7, v21  }
0x10d: {  	v20 =	vor.u32 v26, v20;
	[tilespmem:s29+$0x0] =	vst v6;
	v6 =	vld.idx.msk [tilespmem:v4+s31+$0x0 ss:$0x1], $0xffff;
	v25 =	vor.u32 v19, v10  }
0x10e: {  	v45 =	vadd.s32 v7, v24;
	v5 =	vadd.s32 $0xFA0, v9;
	v12 =	vld.idx.msk [tilespmem:v12+s3+$0x0], $0xffff;
	v10 =	vand.u32 $0xFFFFFFF8, v13;
	[tilespmem:s2+$0x100] =	vst v1  }
0x10f: {  	s14 =	simm.s32 $0x80;
	s8 =	simm.s32 $0x200;
	v31 =	vadd.s32 v9, v10;
	[tilespmem:s28+$0x80] =	vst v14;
	v1 =	vadd.s32 v5, v18;
	v14 =	vld.idx.msk [tilespmem:v0+s3+$0x0], $0xffff  }
0x110: {  	s17 =	sand.u32 $0x3FFFFFF0, s14;
	s9 =	simm.s32 $0x60;
	s0 =	sand.u32 $0x7C00, s8;
	v27 =	vld.idx.msk [tilespmem:v16+s3+$0x0], $0xffff;
	v16 =	vadd.s32 v7, v23;
	v0 =	vand.u32 $0xFFFFFFF8, v15;
	v28 =	vor.u32 v17, v1  }
0x111: {  	v43 =	vld.idx.msk [tilespmem:v4+s17+$0x0 ss:$0x1], $0xffff;
	s15 =	sor.u32 $0x10, s14;
	s7 =	sand.u32 $0x60, s9;
	s0 =	sadd.s32 $0x11D00, s0;
	[tilespmem:s26+$0x100] =	vst v2;
	v1 =	vand.u32 $0x7, v15;
	v15 =	vor.u32 v22, v16;
	v16 =	vand.u32 $0x7, v13  }
0x112: {  	s25 =	sor.u32 s7, s0;
	s7 =	sand.u32 $0x3FFFFFF0, s15;
	v54 =	vadd.s32 v5, v23;
	v13 =	vld.idx.msk [tilespmem:v25+s3+$0x0], $0xffff;
	v30 =	vadd.s32 v9, v0;
	v25 =	vor.u32 v16, v31  }
0x113: {  	v40 =	vld.idx.msk [tilespmem:v4+s7+$0x0 ss:$0x1], $0xffff;
	v2 =	vand.u32 $0xFFFFFFF8, v6;
	[tilespmem:s29+$0x80] =	vst v12;
	v12 =	vadd.s32 v5, v21;
	v30 =	vor.u32 v1, v30  }
0x114: {  	v6 =	vand.u32 $0x7, v6;
	v20 =	vld.idx.msk [tilespmem:v20+s3+$0x0], $0xffff;
	v44 =	vor.u32 v19, v12;
	v31 =	vadd.s32 v9, v2;
	[tilespmem:s2+$0x180] =	vst v14  }
0x115: {  	v55 =	vadd.s32 v5, v24;
	v3 =	vadd.s32 $0x1388, v9;
	v31 =	vor.u32 v6, v31;
	[tilespmem:s28+$0x100] =	vst v27;
	v27 =	vld.idx.msk [tilespmem:v28+s3+$0x0], $0xffff  }
0x116: {  	v39 =	vor.u32 v26, v55;
	v60 =	vadd.s32 v3, v23;
	v14 =	vadd.s32 v3, v18;
	v28 =	vld.idx.msk [tilespmem:v15+s3+$0x0], $0xffff  }
0x117: {  	v47 =	vadd.s32 v11, v10;
	v12 =	vand.u32 $0xFFFFFFF8, v29;
	[tilespmem:s26+$0x180] =	vst v13;
	v15 =	vor.u32 v17, v14;
	v13 =	vld.idx.msk [tilespmem:v25+s3+$0x0], $0xffff  }
0x118: {  	v46 =	vadd.s32 v9, v12;
	v14 =	vand.u32 $0x7, v29;
	v29 =	vld.idx.msk [tilespmem:v30+s3+$0x0], $0xffff;
	v30 =	vor.u32 v26, v45  }
0x119: {  	s19 =	sor.u32 $0x20, s14;
	v50 =	vadd.s32 v8, v10;
	v51 =	vadd.s32 v7, v10;
	v32 =	vld.idx.msk [tilespmem:v44+s3+$0x0], $0xffff;
	v34 =	vor.u32 v14, v46  }
0x11a: {  	s7 =	sand.u32 $0x3FFFFFF0, s19;
	v48 =	vadd.s32 v11, v2;
	v33 =	vor.u32 v16, v47;
	v25 =	vadd.s32 v3, v21;
	v31 =	vld.idx.msk [tilespmem:v31+s3+$0x0], $0xffff  }
0x11b: {  	v58 =	vadd.s32 v8, v2;
	v25 =	vor.u32 v19, v25;
	v45 =	vld.idx.msk [tilespmem:v4+s7+$0x0 ss:$0x1], $0xffff;
	[tilespmem:s2+$0x200] =	vst v27  }
0x11c: {  	v52 =	vadd.s32 v11, v0;
	v53 =	vadd.s32 v11, v12;
	[tilespmem:s29+$0x100] =	vst v20;
	v49 =	vld.idx.msk [tilespmem:v15+s3+$0x0], $0xffff  }
0x11d: {  	s10 =	simm.s32 $0x70;
	v36 =	vor.u32 v16, v50;
	v38 =	vor.u32 v1, v52;
	[tilespmem:s25+$0x0] =	vst v13;
	v30 =	vld.idx.msk [tilespmem:v30+s3+$0x0], $0xffff  }
0x11e: {  	s20 =	simm.s32 $0x40;
	s16 =	simm.s32 $0x50;
	s13 =	sand.u32 $0x70, s10;
	v37 =	vor.u32 v16, v51;
	v27 =	vor.u32 v6, v48;
	[tilespmem:s26+$0x200] =	vst v32;
	v34 =	vld.idx.msk [tilespmem:v34+s3+$0x0], $0xffff  }
0x11f: {  	s9 =	sand.u32 $0x50, s16;
	s24 =	sor.u32 s13, s0;
	v51 =	vadd.s32 v3, v10;
	s7 =	sand.u32 $0x40, s20;
	v32 =	vor.u32 v22, v54;
	[tilespmem:s28+$0x180] =	vst v28;
	v33 =	vld.idx.msk [tilespmem:v33+s3+$0x0], $0xffff  }
0x120: {  	s30 =	sor.u32 s9, s0;
	s0 =	sor.u32 s7, s0;
	v13 =	vadd.s32 $0x1B58, v9;
	v15 =	vadd.s32 v3, v2;
	[tilespmem:s24+$0x0] =	vst v31;
	v31 =	vor.u32 v14, v53;
	v25 =	vld.idx.msk [tilespmem:v25+s3+$0x0], $0xffff  }
0x121: {  	v42 =	vadd.s32 v13, v24;
	v56 =	vadd.s32 v13, v23;
	v28 =	vadd.s32 v13, v21;
	[tilespmem:s0+$0x0] =	vst v29  }
0x122: {  	v20 =	vor.u32 v6, v15;
	v15 =	vadd.s32 $0x1770, v9;
	v41 =	vor.u32 v22, v56;
	v29 =	vld.idx.msk [tilespmem:v38+s3+$0x0], $0xffff  }
0x123: {  	s8 =	sor.u32 $0x30, s14;
	v47 =	vor.u32 v19, v28;
	v57 =	vadd.s32 v15, v18;
	v27 =	vld.idx.msk [tilespmem:v27+s3+$0x0], $0xffff;
	[tilespmem:s30+$0x0] =	vst v34  }
0x124: {  	s8 =	sand.u32 $0x3FFFFFF0, s8;
	v28 =	vadd.s32 v8, v12;
	v44 =	vor.u32 v17, v57;
	[tilespmem:s29+$0x180] =	vst v30;
	v30 =	vld.idx.msk [tilespmem:v32+s3+$0x0], $0xffff  }
0x125: {  	v46 =	vadd.s32 v15, v24;
	v34 =	vor.u32 v6, v58;
	[tilespmem:s26+$0x280] =	vst v25;
	v25 =	vld.idx.msk [tilespmem:v4+s8+$0x0 ss:$0x1], $0xffff  }
0x126: {  	v28 =	vor.u32 v14, v28;
	[tilespmem:s25+$0x80] =	vst v33;
	v33 =	vor.u32 v22, v60;
	v31 =	vld.idx.msk [tilespmem:v31+s3+$0x0], $0xffff  }
0x127: {  	v23 =	vadd.s32 v15, v23;
	v21 =	vadd.s32 v15, v21;
	[tilespmem:s2+$0x280] =	vst v49;
	v61 =	vld.idx.msk [tilespmem:v36+s3+$0x0], $0xffff  }
0x128: {  	v62 =	vor.u32 v22, v23;
	v22 =	vadd.s32 v3, v24;
	v59 =	vld.idx.msk [tilespmem:v39+s3+$0x0], $0xffff;
	[tilespmem:s0+$0x80] =	vst v29  }
0x129: {  	v18 =	vadd.s32 v13, v18;
	v22 =	vor.u32 v26, v22;
	[tilespmem:s24+$0x80] =	vst v27;
	v27 =	vld.idx.msk [tilespmem:v44+s3+$0x0], $0xffff  }
0x12a: {  	v24 =	vadd.s32 v7, v2;
	v23 =	vld.idx.msk [tilespmem:v34+s3+$0x0], $0xffff;
	[tilespmem:s28+$0x200] =	vst v30;
	v30 =	vor.u32 v17, v18  }
0x12b: {  	v60 =	vadd.s32 v5, v2;
	v24 =	vor.u32 v6, v24;
	[tilespmem:s30+$0x80] =	vst v31;
	v33 =	vld.idx.msk [tilespmem:v33+s3+$0x0], $0xffff  }
0x12c: {  	v31 =	vor.u32 v19, v21;
	v19 =	vadd.s32 v8, v0;
	[tilespmem:s25+$0x100] =	vst v61;
	v28 =	vld.idx.msk [tilespmem:v28+s3+$0x0], $0xffff  }
0x12d: {  	v29 =	vor.u32 v26, v46;
	[tilespmem:s29+$0x200] =	vst v59;
	v63 =	vor.u32 v1, v19;
	v52 =	vld.idx.msk [tilespmem:v37+s3+$0x0], $0xffff  }
0x12e: {  	v18 =	vand.u32 $0xFFFFFFF8, v45;
	v17 =	vadd.s32 v5, v10;
	v21 =	vand.u32 $0xFFFFFFF8, v43;
	v55 =	vld.idx.msk [tilespmem:v22+s3+$0x0], $0xffff;
	[tilespmem:s2+$0x300] =	vst v27  }
0x12f: {  	v53 =	vadd.s32 v9, v18;
	v57 =	vor.u32 v16, v17;
	v17 =	vand.u32 $0x7, v43;
	[tilespmem:s24+$0x100] =	vst v23;
	v59 =	vld.idx.msk [tilespmem:v30+s3+$0x0], $0xffff  }
0x130: {  	v58 =	vadd.s32 v11, v18;
	v54 =	vadd.s32 v9, v21;
	v22 =	vadd.s32 v7, v12;
	v48 =	vld.idx.msk [tilespmem:v24+s3+$0x0], $0xffff  }
0x131: {  	v49 =	vadd.s32 v8, v18;
	v37 =	vor.u32 v17, v54;
	v27 =	vor.u32 v14, v22;
	v31 =	vld.idx.msk [tilespmem:v31+s3+$0x0], $0xffff  }
0x132: {  	v23 =	vand.u32 $0x7, v25;
	v24 =	vand.u32 $0xFFFFFFF8, v25;
	[tilespmem:s28+$0x280] =	vst v33;
	v25 =	vand.u32 $0x7, v45;
	v34 =	vld.idx.msk [tilespmem:v63+s3+$0x0], $0xffff  }
0x133: {  	v30 =	vadd.s32 v9, v24;
	[tilespmem:s25+$0x180] =	vst v52;
	v50 =	vld.idx.msk [tilespmem:v62+s3+$0x0], $0xffff;
	v45 =	vor.u32 v25, v53  }
0x134: {  	v43 =	vor.u32 v26, v42;
	v19 =	vand.u32 $0xFFFFFFF8, v40;
	[tilespmem:s29+$0x280] =	vst v55;
	v61 =	vor.u32 v23, v30;
	v44 =	vld.idx.msk [tilespmem:v57+s3+$0x0], $0xffff  }
0x135: {  	v56 =	vadd.s32 v9, v19;
	v22 =	vand.u32 $0x7, v40;
	v33 =	vor.u32 v6, v60;
	[tilespmem:s30+$0x100] =	vst v28;
	v52 =	vld.idx.msk [tilespmem:v29+s3+$0x0], $0xffff  }
0x136: {  	v36 =	vor.u32 v22, v56;
	v62 =	vadd.s32 v7, v18;
	v30 =	vld.idx.msk [tilespmem:v37+s3+$0x0], $0xffff;
	[tilespmem:s2+$0x380] =	vst v59  }
0x137: {  	v28 =	vadd.s32 v3, v24;
	v38 =	vor.u32 v25, v58;
	v32 =	vld.idx.msk [tilespmem:v27+s3+$0x0], $0xffff;
	[tilespmem:s26+$0x300] =	vst v31  }
0x138: {  	v63 =	vadd.s32 v7, v0;
	[tilespmem:s24+$0x180] =	vst v48;
	v39 =	vld.idx.msk [tilespmem:v45+s3+$0x0], $0xffff;
	v45 =	vor.u32 v16, v51  }
0x139: {  	s15 =	simm.s32 $0x400;
	v28 =	vor.u32 v23, v28;
	v27 =	vadd.s32 v11, v24;
	[tilespmem:s0+$0x100] =	vst v34;
	v37 =	vld.idx.msk [tilespmem:v61+s3+$0x0], $0xffff  }
0x13a: {  	s31 =	sand.u32 $0x7C00, s15;
	v35 =	vor.u32 v23, v27;
	v40 =	vld.idx.msk [tilespmem:v33+s3+$0x0], $0xffff;
	[tilespmem:s25+$0x200] =	vst v44;
	v44 =	vor.u32 v1, v63  }
0x13b: {  	s10 =	sadd.s32 $0x11D00, s31;
	v27 =	vadd.s32 v11, v21;
	s2 =	simm.s32 $0xB0;
	v31 =	vor.u32 v25, v49;
	[tilespmem:s28+$0x300] =	vst v50;
	v42 =	vld.idx.msk [tilespmem:v47+s3+$0x0], $0xffff  }
0x13c: {  	s7 =	simm.s32 $0x8;
	s8 =	simm.s32 $0xC;
	v29 =	vor.u32 v17, v27;
	v27 =	vor.u32 v25, v62;
	s9 =	sand.u32 $0x70, s2;
	v41 =	vld.idx.msk [tilespmem:v41+s3+$0x0], $0xffff;
	[tilespmem:s29+$0x300] =	vst v52  }
.LBB2_5:
0x13d: {  	s14 =	sshll.u32 s8, $0x4;
	s13 =	sadd.s32 $0xFFFFFFF0, s2;
	s16 =	sor.u32 s9, s10;
	v45 =	vld.idx.msk [tilespmem:v45+s3+$0x0], $0xffff  }
0x13e: {  	v34 =	vadd.s32 v13, v0;
	v26 =	vadd.s32 v13, v12;
	s9 =	sor.u32 $0x10, s14;
	s17 =	sor.u32 $0x30, s14;
	s19 =	sand.u32 $0x60, s13;
	[tilespmem:s16+$0x0] =	vst v37;
	v43 =	vld.idx.msk [tilespmem:v43+s3+$0x0], $0xffff  }
0x13f: {  	v33 =	vadd.s32 v13, v2;
	v26 =	vor.u32 v14, v26;
	s20 =	sand.u32 $0x3FFFFFF0, s9;
	s13 =	sand.u32 $0x3FFFFFF0, s17;
	s9 =	sor.u32 s19, s10;
	v44 =	vld.idx.msk [tilespmem:v44+s3+$0x0], $0xffff;
	[tilespmem:s24+$0x200] =	vst v40  }
0x140: {  	s7 =	sadd.s32 $0x4, s7;
	v37 =	vadd.s32 v15, v0;
	v33 =	vor.u32 v6, v33;
	s17 =	sand.u32 $0x3FFFFFF0, s14;
	v36 =	vld.idx.msk [tilespmem:v36+s3+$0x0], $0xffff;
	[tilespmem:s9+$0x0] =	vst v39  }
0x141: {  	p1 =	slt.u32 s7, $0xFC;
	v40 =	vadd.s32 v15, v12;
	v39 =	vadd.s32 v11, v19;
	v38 =	vld.idx.msk [tilespmem:v38+s3+$0x0], $0xffff;
	[tilespmem:s28+$0x380] =	vst v41;
	s28 =	smov.u32 s30  }
0x142: {  	v39 =	vor.u32 v22, v39;
	v41 =	vadd.s32 v5, v12;
	v46 =	vld.idx.msk [tilespmem:v20+s3+$0x0], $0xffff;
	[tilespmem:s26+$0x380] =	vst v42;
	v20 =	vmov v28;
	s26 =	smov.u32 s24;
	s24 =	smov.u32 s16  }
0x143: {  	s16 =	sadd.s32 $0xFFFFFFE0, s2;
	v41 =	vor.u32 v14, v41;
	v28 =	vld.idx.msk [tilespmem:v35+s3+$0x0], $0xffff;
	v35 =	vadd.s32 v5, v0;
	[tilespmem:s25+$0x280] =	vst v45  }
0x144: {  	s14 =	sor.u32 $0x20, s14;
	v40 =	vor.u32 v14, v40;
	s16 =	sand.u32 $0x50, s16;
	v42 =	vld.idx.msk [tilespmem:v4+s20+$0x0 ss:$0x1], $0xffff;
	v35 =	vor.u32 v1, v35;
	[tilespmem:s29+$0x380] =	vst v43;
	s29 =	smov.u32 s0  }
0x145: {  	v45 =	vadd.s32 v15, v10;
	s0 =	sand.u32 $0x3FFFFFF0, s14;
	s30 =	sor.u32 s16, s10;
	v43 =	vld.idx.msk [tilespmem:v4+s17+$0x0 ss:$0x1], $0xffff;
	[tilespmem:s29+$0x180] =	vst v44;
	v44 =	vadd.s32 v3, v0;
	v0 =	vmov v21  }
0x146: {  	v21 =	vadd.s32 v8, v24;
	v47 =	vld.idx.msk [tilespmem:v4+s0+$0x0 ss:$0x1], $0xffff;
	[tilespmem:s30+$0x0] =	vst v36;
	v36 =	vor.u32 v16, v45  }
0x147: {  	v21 =	vor.u32 v23, v21;
	v39 =	vld.idx.msk [tilespmem:v39+s3+$0x0], $0xffff;
	[tilespmem:s28+$0x180] =	vst v32;
	v32 =	vadd.s32 v13, v10;
	v10 =	vmov v18  }
0x148: {  	v44 =	vor.u32 v1, v44;
	v18 =	vadd.s32 v3, v12;
	v12 =	vmov v19;
	v41 =	vld.idx.msk [tilespmem:v41+s3+$0x0], $0xffff;
	[tilespmem:s26+$0x280] =	vst v46  }
0x149: {  	s0 =	sadd.s32 $0xFFFFFFD0, s2;
	v19 =	vadd.s32 v8, v12;
	[tilespmem:s9+$0x80] =	vst v38;
	v35 =	vld.idx.msk [tilespmem:v35+s3+$0x0], $0xffff;
	v38 =	vadd.s32 v15, v2;
	v2 =	vmov v24  }
0x14a: {  	s0 =	sand.u32 $0x40, s0;
	v45 =	vor.u32 v14, v18;
	v24 =	vor.u32 v22, v19;
	v31 =	vld.idx.msk [tilespmem:v31+s3+$0x0], $0xffff;
	v38 =	vor.u32 v6, v38  }
0x14b: {  	s0 =	sor.u32 s0, s10;
	v32 =	vor.u32 v16, v32;
	v14 =	vmov v22;
	v19 =	vadd.s32 v8, v0;
	[tilespmem:s24+$0x80] =	vst v28;
	v28 =	vld.idx.msk [tilespmem:v36+s3+$0x0], $0xffff  }
0x14c: {  	v46 =	vadd.s32 v5, v10;
	v18 =	vand.u32 $0xFFFFFFF8, v47;
	[tilespmem:s0+$0x0] =	vst v30;
	v30 =	vor.u32 v17, v19;
	v48 =	vld.idx.msk [tilespmem:v21+s3+$0x0], $0xffff  }
0x14d: {  	v22 =	vadd.s32 v7, v2;
	v6 =	vmov v23;
	v49 =	vadd.s32 v9, v18;
	v50 =	vld.idx.msk [tilespmem:v4+s13+$0x0 ss:$0x1], $0xffff;
	[tilespmem:s30+$0x80] =	vst v39  }
0x14e: {  	v16 =	vmovc v25;
	v21 =	vand.u32 $0xFFFFFFF8, v43;
	v19 =	vand.u32 $0xFFFFFFF8, v42;
	v23 =	vld.idx.msk [tilespmem:v29+s3+$0x0], $0xffff;
	v29 =	vor.u32 v6, v22;
	[tilespmem:s28+$0x200] =	vst v41  }
0x14f: {  	s15 =	sadd.s32 $0x200, s15;
	s2 =	sadd.s32 $0x40, s2;
	v25 =	vadd.s32 v9, v21;
	v36 =	vadd.s32 v9, v19;
	v39 =	vld.idx.msk [tilespmem:v24+s3+$0x0], $0xffff;
	[tilespmem:s29+$0x200] =	vst v35  }
0x150: {  	v41 =	vand.u32 $0x7, v43;
	v22 =	vand.u32 $0x7, v42;
	v42 =	vadd.s32 v11, v18;
	[tilespmem:s9+$0x100] =	vst v31;
	v31 =	vld.idx.msk [tilespmem:v45+s3+$0x0], $0xffff  }
0x151: {  	v43 =	vor.u32 v41, v25;
	v45 =	vadd.s32 v8, v18;
	v25 =	vld.idx.msk [tilespmem:v27+s3+$0x0], $0xffff;
	[tilespmem:s25+$0x300] =	vst v28  }
0x152: {  	v36 =	vor.u32 v22, v36;
	v27 =	vadd.s32 v7, v18;
	[tilespmem:s24+$0x100] =	vst v48;
	v44 =	vld.idx.msk [tilespmem:v44+s3+$0x0], $0xffff  }
0x153: {  	v46 =	vor.u32 v16, v46;
	v28 =	vadd.s32 v7, v12;
	v24 =	vand.u32 $0xFFFFFFF8, v50;
	v48 =	vld.idx.msk [tilespmem:v29+s3+$0x0], $0xffff  }
0x154: {  	v51 =	vor.u32 v14, v28;
	v29 =	vadd.s32 v9, v24;
	v35 =	vadd.s32 v11, v24;
	v52 =	vld.idx.msk [tilespmem:v38+s3+$0x0], $0xffff  }
0x155: {  	v37 =	vor.u32 v1, v37;
	v53 =	vadd.s32 v3, v10;
	[tilespmem:s0+$0x80] =	vst v23;
	v54 =	vld.idx.msk [tilespmem:v32+s3+$0x0], $0xffff  }
0x156: {  	v28 =	vadd.s32 v3, v24;
	v23 =	vand.u32 $0x7, v50;
	v50 =	vld.idx.msk [tilespmem:v30+s3+$0x0], $0xffff;
	v30 =	vadd.s32 v5, v2;
	[tilespmem:s28+$0x280] =	vst v31  }
0x157: {  	v55 =	vor.u32 v23, v29;
	v35 =	vor.u32 v23, v35;
	[tilespmem:s9+$0x180] =	vst v25;
	v56 =	vld.idx.msk [tilespmem:v40+s3+$0x0], $0xffff  }
0x158: {  	v28 =	vor.u32 v23, v28;
	v25 =	vand.u32 $0x7, v47;
	[tilespmem:s30+$0x100] =	vst v39;
	v46 =	vld.idx.msk [tilespmem:v46+s3+$0x0], $0xffff;
	v39 =	vor.u32 v6, v30  }
0x159: {  	v47 =	vor.u32 v25, v49;
	v38 =	vor.u32 v25, v42;
	v32 =	vld.idx.msk [tilespmem:v51+s3+$0x0], $0xffff;
	[tilespmem:s29+$0x280] =	vst v44  }
0x15a: {  	v29 =	vadd.s32 v11, v21;
	v31 =	vor.u32 v25, v45;
	v42 =	vld.idx.msk [tilespmem:v37+s3+$0x0], $0xffff;
	[tilespmem:s26+$0x300] =	vst v52  }
0x15b: {  	v29 =	vor.u32 v41, v29;
	v27 =	vor.u32 v25, v27;
	v30 =	vld.idx.msk [tilespmem:v43+s3+$0x0], $0xffff;
	[tilespmem:s24+$0x180] =	vst v48  }
.Ltmp1:
0x15c: {  	v45 =	vor.u32 v16, v53;
	v43 =	vor.u32 v1, v34;
	v1 =	vmov v17;
	v37 =	vld.idx.msk [tilespmem:v55+s3+$0x0], $0xffff;
	[tilespmem:s25+$0x380] =	vst v54;
	s25 =	smov.u32 s9;
	(pc) =	sbr.rel @p1 .LBB2_5-.Ltmp1, $4  }
0x15d: {  	v34 =	vadd.s32 v7, v0;
	v17 =	vmov v41;
	[tilespmem:s0+$0x100] =	vst v50;
	v40 =	vld.idx.msk [tilespmem:v39+s3+$0x0], $0xffff  }
0x15e: {  	v44 =	vor.u32 v1, v34;
	v39 =	vld.idx.msk [tilespmem:v47+s3+$0x0], $0xffff;
	[tilespmem:s28+$0x300] =	vst v56  }
0x15f: {  	s9 =	sand.u32 $0x7C00, s15;
	[tilespmem:s25+$0x200] =	vst v46;
	v41 =	vld.idx.msk [tilespmem:v26+s3+$0x0], $0xffff  }
0x160: {  	s8 =	sadd.s32 $0x4, s8;
	s10 =	sadd.s32 $0x11D00, s9;
	s9 =	sand.u32 $0x70, s2;
	[tilespmem:s29+$0x300] =	vst v42;
	v42 =	vld.idx.msk [tilespmem:v33+s3+$0x0], $0xffff  }
0x161: {  	_ =	sdelay $0x2  }
0x162: {  	s8 =	sadd.s32 $0xFFFFFFF0, s2;
	s7 =	sor.u32 s9, s10;
	[tilespmem:s30+$0x180] =	vst v32  }
0x163: {  	v4 =	vld.idx.msk [tilespmem:v45+s3+$0x0], $0xffff;
	s8 =	sand.u32 $0x60, s8;
	[tilespmem:s7+$0x0] =	vst v37  }
0x164: {  	v9 =	vld.idx.msk [tilespmem:v43+s3+$0x0], $0xffff;
	[tilespmem:s24+$0x200] =	vst v40;
	s8 =	sor.u32 s8, s10  }
0x165: {  	[tilespmem:s8+$0x0] =	vst v39  }
0x166: {  	v26 =	vld.idx.msk [tilespmem:v36+s3+$0x0], $0xffff;
	v11 =	vadd.s32 v11, v19;
	[tilespmem:s28+$0x380] =	vst v41  }
0x167: {  	v33 =	vld.idx.msk [tilespmem:v44+s3+$0x0], $0xffff;
	v34 =	vadd.s32 v5, v12;
	v11 =	vor.u32 v22, v11;
	s28 =	sadd.s32 $0xFFFFFFD0, s2;
	[tilespmem:s26+$0x380] =	vst v42  }
0x168: {  	v44 =	vadd.s32 v15, v10;
	v34 =	vor.u32 v14, v34;
	v36 =	vld.idx.msk [tilespmem:v20+s3+$0x0], $0xffff;
	s26 =	sadd.s32 $0xFFFFFFE0, s2;
	s2 =	sand.u32 $0x40, s28;
	[tilespmem:s25+$0x280] =	vst v4  }
0x169: {  	v46 =	vor.u32 v16, v44;
	v40 =	vld.idx.msk [tilespmem:v35+s3+$0x0], $0xffff;
	v41 =	vadd.s32 v8, v24;
	s9 =	sand.u32 $0x50, s26;
	[tilespmem:s29+$0x380] =	vst v9;
	s2 =	sor.u32 s2, s10  }
0x16a: {  	v38 =	vld.idx.msk [tilespmem:v38+s3+$0x0], $0xffff;
	v42 =	vor.u32 v23, v41;
	s9 =	sor.u32 s9, s10;
	[tilespmem:s2+$0x0] =	vst v30  }
0x16b: {  	v43 =	vadd.s32 v8, v21;
	[tilespmem:s9+$0x0] =	vst v26;
	v29 =	vld.idx.msk [tilespmem:v29+s3+$0x0], $0xffff  }
0x16c: {  	v45 =	vor.u32 v17, v43;
	v39 =	vadd.s32 v8, v19;
	[tilespmem:s0+$0x180] =	vst v33;
	v11 =	vld.idx.msk [tilespmem:v11+s3+$0x0], $0xffff  }
0x16d: {  	v37 =	vadd.s32 v5, v0;
	v34 =	vld.idx.msk [tilespmem:v34+s3+$0x0], $0xffff;
	v26 =	vor.u32 v22, v39;
	[tilespmem:s24+$0x280] =	vst v36  }
0x16e: {  	v57 =	vadd.s32 v15, v2;
	v20 =	vor.u32 v1, v37;
	v8 =	vld.idx.msk [tilespmem:v46+s3+$0x0], $0xffff;
	[tilespmem:s7+$0x80] =	vst v40  }
0x16f: {  	v52 =	vadd.s32 v7, v24;
	v59 =	vor.u32 v6, v57;
	[tilespmem:s8+$0x80] =	vst v38;
	v30 =	vld.idx.msk [tilespmem:v42+s3+$0x0], $0xffff  }
0x170: {  	v53 =	vor.u32 v23, v52;
	v49 =	vld.idx.msk [tilespmem:v31+s3+$0x0], $0xffff;
	[tilespmem:s2+$0x80] =	vst v29  }
0x171: {  	v54 =	vadd.s32 v7, v21;
	[tilespmem:s9+$0x80] =	vst v11;
	v4 =	vld.idx.msk [tilespmem:v45+s3+$0x0], $0xffff  }
0x172: {  	v51 =	vadd.s32 v7, v19;
	v7 =	vor.u32 v17, v54;
	[tilespmem:s30+$0x200] =	vst v34;
	v11 =	vld.idx.msk [tilespmem:v26+s3+$0x0], $0xffff  }
0x173: {  	v47 =	vadd.s32 v3, v12;
	v48 =	vld.idx.msk [tilespmem:v20+s3+$0x0], $0xffff;
	[tilespmem:s25+$0x300] =	vst v8;
	v26 =	vor.u32 v22, v51  }
0x174: {  	v55 =	vadd.s32 v3, v0;
	v50 =	vor.u32 v14, v47;
	v36 =	vld.idx.msk [tilespmem:v59+s3+$0x0], $0xffff;
	[tilespmem:s7+$0x100] =	vst v30  }
0x175: {  	v63 =	vadd.s32 v5, v24;
	v56 =	vor.u32 v1, v55;
	[tilespmem:s8+$0x100] =	vst v49;
	v29 =	vld.idx.msk [tilespmem:v53+s3+$0x0], $0xffff  }
0x176: {  	v60 =	vadd.s32 v5, v18;
	v32 =	vor.u32 v23, v63;
	v27 =	vld.idx.msk [tilespmem:v27+s3+$0x0], $0xffff;
	[tilespmem:s2+$0x100] =	vst v4  }
0x177: {  	v61 =	vor.u32 v25, v60;
	v33 =	vadd.s32 v5, v21;
	[tilespmem:s9+$0x100] =	vst v11;
	v7 =	vld.idx.msk [tilespmem:v7+s3+$0x0], $0xffff  }
0x178: {  	v62 =	vadd.s32 v5, v19;
	v5 =	vor.u32 v17, v33;
	[tilespmem:s0+$0x200] =	vst v48;
	v26 =	vld.idx.msk [tilespmem:v26+s3+$0x0], $0xffff  }
0x179: {  	v54 =	vadd.s32 v13, v2;
	v58 =	vld.idx.msk [tilespmem:v50+s3+$0x0], $0xffff;
	[tilespmem:s24+$0x300] =	vst v36;
	v30 =	vor.u32 v22, v62  }
0x17a: {  	v2 =	vor.u32 v6, v54;
	v34 =	vadd.s32 v13, v10;
	v9 =	vld.idx.msk [tilespmem:v56+s3+$0x0], $0xffff;
	[tilespmem:s7+$0x180] =	vst v29  }
0x17b: {  	v10 =	vor.u32 v16, v34;
	[tilespmem:s8+$0x180] =	vst v27;
	v8 =	vld.idx.msk [tilespmem:v32+s3+$0x0], $0xffff  }
0x17c: {  	v37 =	vadd.s32 v3, v18;
	v11 =	vld.idx.msk [tilespmem:v61+s3+$0x0], $0xffff;
	[tilespmem:s2+$0x180] =	vst v7  }
0x17d: {  	v41 =	vadd.s32 v3, v21;
	v38 =	vor.u32 v25, v37;
	[tilespmem:s9+$0x180] =	vst v26;
	v5 =	vld.idx.msk [tilespmem:v5+s3+$0x0], $0xffff  }
0x17e: {  	v39 =	vadd.s32 v3, v19;
	v3 =	vor.u32 v17, v41;
	[tilespmem:s30+$0x280] =	vst v58;
	v4 =	vld.idx.msk [tilespmem:v30+s3+$0x0], $0xffff  }
0x17f: {  	v35 =	vadd.s32 v15, v12;
	v40 =	vor.u32 v22, v39;
	v2 =	vld.idx.msk [tilespmem:v2+s3+$0x0], $0xffff;
	[tilespmem:s0+$0x280] =	vst v9  }
0x180: {  	v20 =	vor.u32 v14, v35;
	v42 =	vadd.s32 v15, v0;
	v10 =	vld.idx.msk [tilespmem:v10+s3+$0x0], $0xffff;
	[tilespmem:s7+$0x200] =	vst v8  }
0x181: {  	v51 =	vadd.s32 v15, v24;
	v9 =	vor.u32 v1, v42;
	[tilespmem:s8+$0x200] =	vst v11;
	v50 =	vld.idx.msk [tilespmem:v28+s3+$0x0], $0xffff  }
0x182: {  	v47 =	vadd.s32 v15, v18;
	v53 =	vor.u32 v23, v51;
	v46 =	vld.idx.msk [tilespmem:v38+s3+$0x0], $0xffff;
	[tilespmem:s2+$0x200] =	vst v5  }
0x183: {  	v52 =	vadd.s32 v15, v21;
	v49 =	vor.u32 v25, v47;
	[tilespmem:s9+$0x200] =	vst v4;
	v3 =	vld.idx.msk [tilespmem:v3+s3+$0x0], $0xffff  }
0x184: {  	v48 =	vadd.s32 v15, v19;
	[tilespmem:s24+$0x380] =	vst v2;
	v5 =	vor.u32 v17, v52;
	v7 =	vld.idx.msk [tilespmem:v40+s3+$0x0], $0xffff  }
0x185: {  	v43 =	vadd.s32 v13, v12;
	v44 =	vld.idx.msk [tilespmem:v20+s3+$0x0], $0xffff;
	[tilespmem:s25+$0x380] =	vst v10;
	v4 =	vor.u32 v22, v48  }
0x186: {  	v55 =	vadd.s32 v13, v0;
	v45 =	vor.u32 v14, v43;
	v9 =	vld.idx.msk [tilespmem:v9+s3+$0x0], $0xffff;
	[tilespmem:s7+$0x280] =	vst v50  }
0x187: {  	v59 =	vadd.s32 v13, v24;
	v0 =	vor.u32 v1, v55;
	[tilespmem:s8+$0x280] =	vst v46;
	v10 =	vld.idx.msk [tilespmem:v53+s3+$0x0], $0xffff  }
0x188: {  	v57 =	vadd.s32 v13, v18;
	v61 =	vor.u32 v23, v59;
	v8 =	vld.idx.msk [tilespmem:v49+s3+$0x0], $0xffff;
	[tilespmem:s2+$0x280] =	vst v3  }
0x189: {  	v60 =	vadd.s32 v13, v21;
	v1 =	vor.u32 v25, v57;
	[tilespmem:s9+$0x280] =	vst v7;
	v5 =	vld.idx.msk [tilespmem:v5+s3+$0x0], $0xffff  }
0x18a: {  	v58 =	vadd.s32 v13, v19;
	[tilespmem:s30+$0x300] =	vst v44;
	v3 =	vor.u32 v17, v60;
	v4 =	vld.idx.msk [tilespmem:v4+s3+$0x0], $0xffff  }
0x18b: {  	v56 =	vld.idx.msk [tilespmem:v45+s3+$0x0], $0xffff;
	[tilespmem:s0+$0x300] =	vst v9;
	v7 =	vor.u32 v22, v58  }
0x18c: {  	v0 =	vld.idx.msk [tilespmem:v0+s3+$0x0], $0xffff;
	[tilespmem:s7+$0x300] =	vst v10  }
0x18d: {  	[tilespmem:s8+$0x300] =	vst v8;
	v62 =	vld.idx.msk [tilespmem:v61+s3+$0x0], $0xffff  }
0x18e: {  	v1 =	vld.idx.msk [tilespmem:v1+s3+$0x0], $0xffff;
	[tilespmem:s2+$0x300] =	vst v5  }
0x18f: {  	[tilespmem:s9+$0x300] =	vst v4;
	v63 =	vld.idx.msk [tilespmem:v3+s3+$0x0], $0xffff  }
0x190: {  	s21 =	sadd.s32 $0x1, s21;
	[tilespmem:s30+$0x380] =	vst v56;
	v4 =	vld.idx.msk [tilespmem:v7+s3+$0x0], $0xffff  }
0x191: {  	p1 =	sne.s32 s21, s12;
	s29 =	smul.u32 $0x3E8000, s22;
	s30 =	sadd.s32 s5, s23;
	[tilespmem:s0+$0x380] =	vst v0  }
.Ltmp2:
0x192: {  	s31 =	sshll.u32 s30, $0xF;
	[tilespmem:s7+$0x380] =	vst v62;
	(pc) =	sbr.rel @p1 .LBB2_2-.Ltmp2, $4  }
0x193: {  	s0 =	sadd.s32 s31, s29;
	[tilespmem:s8+$0x380] =	vst v1  }
0x194: {  	s0 =	sshrl.u32 s0, $0x3;
	[tilespmem:s2+$0x380] =	vst v63  }
0x195: {  	s0 =	sadd.s32 s1, s0;
	[tilespmem:s9+$0x380] =	vst v4  }
0x196: {  	[hbm4b:s0+s3] =	stream.linear.scatter [tilespmem:s18], [sflag:$0x2], $0x8000, $0x38;
	[tilespmem:$0x19D00] =	vst v63  }
0x197: {  	s0 =	simm.s32 $0x1  }
0x198: {  	_ =	swait.ge [sflag:s0], $0x8000  }
0x199: {  	[sflag:s0] =	ssyncset.done $0x0  }
0x19a: {  	s2 =	simm.s32 $0x2;
	[sflag:s0] =	ssyncadd.s32 $0xFFFF8000  }
0x19b: {  	_ =	swait.ge [sflag:s2], $0x8000  }
0x19c: {  	s7 =	rddreg [dreg:$0x8]  }
0x19d: {  	s31 =	rddreg [dreg:$0x7];
	s7 =	sadd.s32 $0x1, s7  }
0x19e: {  	p1 =	sne.s32 s7, s31  }
.Ltmp3:
0x19f: {  	_ = 	snop;
	(pc) =	sbr.rel @p1 .LBB2_1-.Ltmp3, $3  }
0x1a0: {  	_ =	sdelay $0x1  }
0x1a1: {  	[sflag:s2] =	ssyncset.done $0x0  }
0x1a2: {  	[sflag:s2] =	ssyncadd.s32 $0xFFFF8000  }
0x1a3: {  	_ =	sfence.sel $0x180000  }
0x1a4: {  	[bflag:$0x0] =	sbarrier.arrive $0xFFFF  }
0x1a5: {  	_ =	strace $0x90000047  }
0x1a6: {  	s0 =	stileid.u32;
	[bflag:$0x2] =	sbarrier.arrive $0xFFFF  }
0x1a7: {  	p0 =	sne.s32 s0, $0x0;
	s0 =	rddreg [dreg:$0x2]  }
0x1a8: {  	s0 =	sadd.s32 @!p0 $0x100000, s0  }
0x1a9: {  	[sflag:s0] =	ssyncadd.tile.s32 @!p0 $0x1;
	_ =	shalt  }
.Lfunc_end2:
_tile_overlayer_lowered:
.L_overlay_start_2:
0x1aa: {  	(tag) =	ssettag $0x2  }
0x1ab: {  	s0 =	rddreg [dreg:$0x0];
	s2 =	stileid.u32  }
0x1ac: {  	s1 =	rddreg [dreg:$0x1];
	p0 =	sne.s32 s2, $0x0  }
0x1ad: {  	s3 =	rddreg [dreg:$0x2];
	[bflag:$0x3] =	sbarrier.arrive $0xFFFF;
	s2 =	simm.s32 @!p0 $0x1C04  }
0x1ae: {  	[timem:s3], [sflag:s2] =	dma.local @!p0 [hbm:s0], s1  }
0x1af: {  	s0 =	simm.s32 @!p0 $0x4  }
0x1b0: {  	_ =	swait.ge @!p0 [sflag:s0], s1  }
0x1b1: {  	s1 =	ssub.s32 @!p0 $0x0, s1;
	[sflag:s0] =	ssyncset.done @!p0 $0x0  }
0x1b2: {  	[sflag:s0] =	ssyncadd.s32 @!p0 s1  }
0x1b3: {  	[bflag:$0x3] =	sbarrier.arrive $0xFFFF  }
0x1b4: {  	_ =	shalt  }

</sc_bundles>
